<compile_context>
chip_gen: v7x
topology: tpu7x:2x2x1
jax: 0.10.2.dev20260603
libtpu: 0.0.44.dev20260713+nightly
codegen_flags: <defaults>
</compile_context>

<pallas_src>
import functools

import jax
import jax.numpy as jnp
from jax import lax
from jax.experimental import pallas as pl
from jax.experimental.pallas import tpu as pltpu
from jax.experimental.pallas import tpu_sc as plsc


def _tree_sum(terms):
    while len(terms) > 1:
        nxt = [terms[i] + terms[i + 1] for i in range(0, len(terms) - 1, 2)]
        if len(terms) % 2:
            nxt.append(terms[-1])
        terms = nxt
    return terms[0]


def _conv_body(x_ref, s_ref, w_ref, b_ref, o_ref):
    i = pl.program_id(0)
    e = s_ref[i]
    x = x_ref[0].astype(jnp.bfloat16)
    C, H, W = x.shape
    zc = jnp.zeros((C, H, 1), jnp.bfloat16)
    zr = jnp.zeros((1, W), jnp.bfloat16)
    xl = jnp.concatenate([zc, x[:, :, : W - 1]], axis=2)
    xr = jnp.concatenate([x[:, :, 1:], zc], axis=2)
    xs = (xl, x, xr)
    for co in range(3):
        h = []
        for ky in range(3):
            terms = [
                xs[kx][ci] * w_ref[e, co, ci, ky, kx].astype(jnp.bfloat16)
                for ci in range(3)
                for kx in range(3)
            ]
            h.append(_tree_sum(terms))
        top = jnp.concatenate([zr, h[0][: H - 1, :]], axis=0)
        bot = jnp.concatenate([h[2][1:, :], zr], axis=0)
        out = (top + h[1]) + (bot + b_ref[e, co].astype(jnp.bfloat16))
        o_ref[0, co] = out.astype(jnp.float32)


def _masks_sc_call(s):
    mesh = plsc.VectorSubcoreMesh(core_axis_name="c", subcore_axis_name="s")

    @functools.partial(
        pl.kernel,
        mesh=mesh,
        out_type=jax.ShapeDtypeStruct((48,), jnp.int32),
        scratch_types=[
            pltpu.VMEM((16,), jnp.int32),
            pltpu.VMEM((16,), jnp.int32),
        ],
    )
    def _masks_body(s_hbm, out_hbm, s_v, m_v):
        wid = lax.axis_index("s") * 2 + lax.axis_index("c")

        @pl.when(wid == 0)
        def _():
            pltpu.sync_copy(s_hbm, s_v)
            for k in range(3):
                m_v[...] = jnp.where(s_v[...] == k, jnp.int32(1), jnp.int32(0))
                pltpu.sync_copy(m_v, out_hbm.at[pl.ds(16 * k, 16)])

    return _masks_body(s)


def kernel(x, intensity, W_low, b_low, W_medium, b_medium, W_high, b_high):
    N, C, H, W = x.shape
    w_all = jnp.stack([W_low, W_medium, W_high])
    b_all = jnp.stack([b_low, b_medium, b_high])
    s = intensity.astype(jnp.int32)
    out = pl.pallas_call(
        _conv_body,
        grid=(N,),
        in_specs=[
            pl.BlockSpec((1, C, H, W), lambda i: (i, 0, 0, 0)),
            pl.BlockSpec(memory_space=pltpu.SMEM),
            pl.BlockSpec(memory_space=pltpu.SMEM),
            pl.BlockSpec(memory_space=pltpu.SMEM),
        ],
        out_specs=pl.BlockSpec((1, C, H, W), lambda i: (i, 0, 0, 0)),
        out_shape=jax.ShapeDtypeStruct((N, C, H, W), jnp.float32),
        compiler_params=pltpu.CompilerParams(
            dimension_semantics=("parallel",),
        ),
    )(x, s, w_all, b_all)
    m = _masks_sc_call(s).reshape(3, 16)
    return (out, intensity, m[0] != 0, m[1] != 0, m[2] != 0)

# --- scband reference (transcript-rebuilt; emitter-appended) ---
"""Pipeline reference for scband-hard-router-83906481095379 (READ-ONLY COPY).

The authoritative reference and input builder live on the scoring server;
editing this copy changes nothing except your own understanding.
"""

import jax, jax.numpy as jnp
import numpy as np


def _conv3x3(x, W, b):
    out = jax.lax.conv_general_dilated(
        x, W, window_strides=(1, 1), padding='SAME',
        dimension_numbers=('NCHW', 'OIHW', 'NCHW'))
    return out + b[None, :, None, None]


def setup_inputs(seed: int = 0):
    key = jax.random.key(seed)
    ks = jax.random.split(key, 8)
    x = jax.random.normal(ks[0], (16, 3, 512, 512), dtype=jnp.float32)
    intensity = jax.random.randint(ks[1], (16,), 0, 3).astype(jnp.int64)
    W_low = jax.random.normal(ks[2], (3, 3, 3, 3), dtype=jnp.float32) * 0.1
    b_low = jnp.zeros((3,), dtype=jnp.float32)
    W_medium = jax.random.normal(ks[3], (3, 3, 3, 3), dtype=jnp.float32) * 0.1
    b_medium = jnp.zeros((3,), dtype=jnp.float32)
    W_high = jax.random.normal(ks[4], (3, 3, 3, 3), dtype=jnp.float32) * 0.1
    b_high = jnp.zeros((3,), dtype=jnp.float32)
    return {'x': x, 'intensity': intensity,
            'W_low': W_low, 'b_low': b_low,
            'W_medium': W_medium, 'b_medium': b_medium,
            'W_high': W_high, 'b_high': b_high}


def reference(x, intensity, W_low, b_low, W_medium, b_medium, W_high, b_high):
    outputs = jnp.zeros_like(x)
    params = {'low': (W_low, b_low), 'medium': (W_medium, b_medium), 'high': (W_high, b_high)}
    masks = {'low': intensity == 0, 'medium': intensity == 1, 'high': intensity == 2}
    for name in ['low', 'medium', 'high']:
        mask = masks[name]
        W, b = params[name]
        branch_outputs = _conv3x3(x, W, b)
        outputs = jnp.where(mask[:, None, None, None], branch_outputs, outputs)
    return (outputs, intensity, masks['low'], masks['medium'], masks['high'])

if __name__ == "__main__":
    import jax
    _d = setup_inputs()
    print(jax.jit(kernel)(*tuple(_d.values())))

</pallas_src>

<mosaic_0001>
#map = affine_map<(d0, d1) -> (0)>
module attributes {stable_mosaic.version = 14 : i64} {
  func.func @_masks_body(%arg0: i32, %arg1: i32, %arg2: memref<16xi32, #tpu.memory_space<hbm>>, %arg3: memref<48xi32, #tpu.memory_space<hbm>>, %arg4: memref<16xi32, #tpu.memory_space<vmem>>, %arg5: memref<16xi32, #tpu.memory_space<vmem>>) attributes {dimension_semantics = [#tpu.dimension_semantics<core_parallel>, #tpu.dimension_semantics<subcore_parallel>], iteration_bounds = array<i64: 2, 16>, scalar_prefetch = 0 : i64, scratch_operands = 2 : i64, tpu.core_type = #tpu.core_type<sc_vector_subcore>, window_params = [{transform_indices = #map}, {transform_indices = #map}]} {
    %mul3A = arith.constant 2 : i32
    %mul3A_0 = arith.muli %arg1, %mul3A : i32
    %add3A = arith.addi %mul3A_0, %arg0 : i32
    %eq3A = arith.constant 0 : i32
    %eq3A_1 = arith.cmpi eq, %add3A, %eq3A : i32
    %convert_element_type3A = arith.extui %eq3A_1 : i1 to i32
    %cond3A = arith.constant 0 : i32
    %cond3A_2 = arith.cmpi ne, %convert_element_type3A, %cond3A : i32
    scf.if %cond3A_2 {
      "tpu.region"() ({
        %run_scoped3A = tpu.sem_alloc : memref<!tpu.dma_semaphore, #tpu.memory_space<semaphore_mem>>
        tpu.enqueue_dma source(%arg2 : memref<16xi32, #tpu.memory_space<hbm>>) target(%arg4 : memref<16xi32, #tpu.memory_space<vmem>>) target_semaphore(%run_scoped3A : memref<!tpu.dma_semaphore, #tpu.memory_space<semaphore_mem>>)
        tpu.wait_dma2 semaphore(%run_scoped3A : memref<!tpu.dma_semaphore, #tpu.memory_space<semaphore_mem>>) src(%arg2 : memref<16xi32, #tpu.memory_space<hbm>>) dst(%arg4 : memref<16xi32, #tpu.memory_space<vmem>>)
        tpu.yield
      }) : () -> ()
      %get3A = arith.constant 0 : index
      %get3A_3 = tpu.vector_load %arg4[%get3A] {strides = array<i32>} : memref<16xi32, #tpu.memory_space<vmem>>, vector<16xi32>,
      %get3A_4 = vector.shape_cast %get3A_3 : vector<16xi32> to vector<16xi32>
      %eq3A_5 = arith.constant 0 : i32
      %eq3A_6 = vector.broadcast %eq3A_5 : i32 to vector<16xi32>
      %eq3A_7 = arith.cmpi eq, %get3A_4, %eq3A_6 : vector<16xi32>
      %jit3A = arith.constant 1 : i32
      %jit3A_8 = arith.constant 0 : i32
      %broadcast_in_dim3A = vector.broadcast %jit3A : i32 to vector<16xi32>
      %broadcast_in_dim3A_9 = vector.broadcast %jit3A_8 : i32 to vector<16xi32>
      %select_n3A = arith.select %eq3A_7, %broadcast_in_dim3A, %broadcast_in_dim3A_9 : vector<16xi1>, vector<16xi32>
      %swap3A = arith.constant 0 : index
      %swap3A_10 = tpu.vector_load %arg5[%swap3A] {strides = array<i32>} : memref<16xi32, #tpu.memory_space<vmem>>, vector<16xi32>,
      %swap3A_11 = vector.shape_cast %swap3A_10 : vector<16xi32> to vector<16xi32>
      %swap3A_12 = vector.shape_cast %select_n3A : vector<16xi32> to vector<16xi32>
      tpu.vector_store %arg5[%swap3A], %swap3A_12 {strides = array<i32>} : memref<16xi32, #tpu.memory_space<vmem>>, vector<16xi32>,
      "tpu.region"() ({
        %run_scoped3A = tpu.sem_alloc : memref<!tpu.dma_semaphore, #tpu.memory_space<semaphore_mem>>
        %dma_start3A = arith.constant 0 : i32
        %dma_start3A_43 = tpu.memref_slice %arg3[%dma_start3A] : memref<48xi32, #tpu.memory_space<hbm>> -> memref<16xi32, #tpu.memory_space<hbm>>
        %dma_start3A_44 = arith.constant 0 : i32
        %dma_start3A_45 = tpu.memref_slice %arg3[%dma_start3A_44] : memref<48xi32, #tpu.memory_space<hbm>> -> memref<16xi32, #tpu.memory_space<hbm>>
        tpu.enqueue_dma source(%arg5 : memref<16xi32, #tpu.memory_space<vmem>>) target(%dma_start3A_45 : memref<16xi32, #tpu.memory_space<hbm>>) target_semaphore(%run_scoped3A : memref<!tpu.dma_semaphore, #tpu.memory_space<semaphore_mem>>)
        %dma_wait3A = arith.constant 0 : i32
        %dma_wait3A_46 = tpu.memref_slice %arg3[%dma_wait3A] : memref<48xi32, #tpu.memory_space<hbm>> -> memref<16xi32, #tpu.memory_space<hbm>>
        %dma_wait3A_47 = arith.constant 0 : i32
        %dma_wait3A_48 = tpu.memref_slice %arg3[%dma_wait3A_47] : memref<48xi32, #tpu.memory_space<hbm>> -> memref<16xi32, #tpu.memory_space<hbm>>
        tpu.wait_dma2 semaphore(%run_scoped3A : memref<!tpu.dma_semaphore, #tpu.memory_space<semaphore_mem>>) src(%arg5 : memref<16xi32, #tpu.memory_space<vmem>>) dst(%dma_wait3A_48 : memref<16xi32, #tpu.memory_space<hbm>>)
        tpu.yield
      }) : () -> ()
      %get3A_13 = arith.constant 0 : index
      %get3A_14 = tpu.vector_load %arg4[%get3A_13] {strides = array<i32>} : memref<16xi32, #tpu.memory_space<vmem>>, vector<16xi32>,
      %get3A_15 = vector.shape_cast %get3A_14 : vector<16xi32> to vector<16xi32>
      %eq3A_16 = arith.constant 1 : i32
      %eq3A_17 = vector.broadcast %eq3A_16 : i32 to vector<16xi32>
      %eq3A_18 = arith.cmpi eq, %get3A_15, %eq3A_17 : vector<16xi32>
      %jit3A_19 = arith.constant 1 : i32
      %jit3A_20 = arith.constant 0 : i32
      %broadcast_in_dim3A_21 = vector.broadcast %jit3A_19 : i32 to vector<16xi32>
      %broadcast_in_dim3A_22 = vector.broadcast %jit3A_20 : i32 to vector<16xi32>
      %select_n3A_23 = arith.select %eq3A_18, %broadcast_in_dim3A_21, %broadcast_in_dim3A_22 : vector<16xi1>, vector<16xi32>
      %swap3A_24 = arith.constant 0 : index
      %swap3A_25 = tpu.vector_load %arg5[%swap3A_24] {strides = array<i32>} : memref<16xi32, #tpu.memory_space<vmem>>, vector<16xi32>,
      %swap3A_26 = vector.shape_cast %swap3A_25 : vector<16xi32> to vector<16xi32>
      %swap3A_27 = vector.shape_cast %select_n3A_23 : vector<16xi32> to vector<16xi32>
      tpu.vector_store %arg5[%swap3A_24], %swap3A_27 {strides = array<i32>} : memref<16xi32, #tpu.memory_space<vmem>>, vector<16xi32>,
      "tpu.region"() ({
        %run_scoped3A = tpu.sem_alloc : memref<!tpu.dma_semaphore, #tpu.memory_space<semaphore_mem>>
        %dma_start3A = arith.constant 16 : i32
        %dma_start3A_43 = tpu.memref_slice %arg3[%dma_start3A] : memref<48xi32, #tpu.memory_space<hbm>> -> memref<16xi32, #tpu.memory_space<hbm>>
        %dma_start3A_44 = arith.constant 16 : i32
        %dma_start3A_45 = tpu.memref_slice %arg3[%dma_start3A_44] : memref<48xi32, #tpu.memory_space<hbm>> -> memref<16xi32, #tpu.memory_space<hbm>>
        tpu.enqueue_dma source(%arg5 : memref<16xi32, #tpu.memory_space<vmem>>) target(%dma_start3A_45 : memref<16xi32, #tpu.memory_space<hbm>>) target_semaphore(%run_scoped3A : memref<!tpu.dma_semaphore, #tpu.memory_space<semaphore_mem>>)
        %dma_wait3A = arith.constant 16 : i32
        %dma_wait3A_46 = tpu.memref_slice %arg3[%dma_wait3A] : memref<48xi32, #tpu.memory_space<hbm>> -> memref<16xi32, #tpu.memory_space<hbm>>
        %dma_wait3A_47 = arith.constant 16 : i32
        %dma_wait3A_48 = tpu.memref_slice %arg3[%dma_wait3A_47] : memref<48xi32, #tpu.memory_space<hbm>> -> memref<16xi32, #tpu.memory_space<hbm>>
        tpu.wait_dma2 semaphore(%run_scoped3A : memref<!tpu.dma_semaphore, #tpu.memory_space<semaphore_mem>>) src(%arg5 : memref<16xi32, #tpu.memory_space<vmem>>) dst(%dma_wait3A_48 : memref<16xi32, #tpu.memory_space<hbm>>)
        tpu.yield
      }) : () -> ()
      %get3A_28 = arith.constant 0 : index
      %get3A_29 = tpu.vector_load %arg4[%get3A_28] {strides = array<i32>} : memref<16xi32, #tpu.memory_space<vmem>>, vector<16xi32>,
      %get3A_30 = vector.shape_cast %get3A_29 : vector<16xi32> to vector<16xi32>
      %eq3A_31 = arith.constant 2 : i32
      %eq3A_32 = vector.broadcast %eq3A_31 : i32 to vector<16xi32>
      %eq3A_33 = arith.cmpi eq, %get3A_30, %eq3A_32 : vector<16xi32>
      %jit3A_34 = arith.constant 1 : i32
      %jit3A_35 = arith.constant 0 : i32
      %broadcast_in_dim3A_36 = vector.broadcast %jit3A_34 : i32 to vector<16xi32>
      %broadcast_in_dim3A_37 = vector.broadcast %jit3A_35 : i32 to vector<16xi32>
      %select_n3A_38 = arith.select %eq3A_33, %broadcast_in_dim3A_36, %broadcast_in_dim3A_37 : vector<16xi1>, vector<16xi32>
      %swap3A_39 = arith.constant 0 : index
      %swap3A_40 = tpu.vector_load %arg5[%swap3A_39] {strides = array<i32>} : memref<16xi32, #tpu.memory_space<vmem>>, vector<16xi32>,
      %swap3A_41 = vector.shape_cast %swap3A_40 : vector<16xi32> to vector<16xi32>
      %swap3A_42 = vector.shape_cast %select_n3A_38 : vector<16xi32> to vector<16xi32>
      tpu.vector_store %arg5[%swap3A_39], %swap3A_42 {strides = array<i32>} : memref<16xi32, #tpu.memory_space<vmem>>, vector<16xi32>,
      "tpu.region"() ({
        %run_scoped3A = tpu.sem_alloc : memref<!tpu.dma_semaphore, #tpu.memory_space<semaphore_mem>>
        %dma_start3A = arith.constant 32 : i32
        %dma_start3A_43 = tpu.memref_slice %arg3[%dma_start3A] : memref<48xi32, #tpu.memory_space<hbm>> -> memref<16xi32, #tpu.memory_space<hbm>>
        %dma_start3A_44 = arith.constant 32 : i32
        %dma_start3A_45 = tpu.memref_slice %arg3[%dma_start3A_44] : memref<48xi32, #tpu.memory_space<hbm>> -> memref<16xi32, #tpu.memory_space<hbm>>
        tpu.enqueue_dma source(%arg5 : memref<16xi32, #tpu.memory_space<vmem>>) target(%dma_start3A_45 : memref<16xi32, #tpu.memory_space<hbm>>) target_semaphore(%run_scoped3A : memref<!tpu.dma_semaphore, #tpu.memory_space<semaphore_mem>>)
        %dma_wait3A = arith.constant 32 : i32
        %dma_wait3A_46 = tpu.memref_slice %arg3[%dma_wait3A] : memref<48xi32, #tpu.memory_space<hbm>> -> memref<16xi32, #tpu.memory_space<hbm>>
        %dma_wait3A_47 = arith.constant 32 : i32
        %dma_wait3A_48 = tpu.memref_slice %arg3[%dma_wait3A_47] : memref<48xi32, #tpu.memory_space<hbm>> -> memref<16xi32, #tpu.memory_space<hbm>>
        tpu.wait_dma2 semaphore(%run_scoped3A : memref<!tpu.dma_semaphore, #tpu.memory_space<semaphore_mem>>) src(%arg5 : memref<16xi32, #tpu.memory_space<vmem>>) dst(%dma_wait3A_48 : memref<16xi32, #tpu.memory_space<hbm>>)
        tpu.yield
      }) : () -> ()
    } else {
    }
    return
  }
}

module attributes {stable_mosaic.version = 14 : i64} {
  func.func @_conv_body(%arg0: i32, %arg1: memref<1x3x512x512xf32, #tpu.memory_space<vmem>>, %arg2: memref<16xi32, #tpu.memory_space<smem>>, %arg3: memref<3x3x3x3x3xf32, #tpu.memory_space<smem>>, %arg4: memref<3x3xf32, #tpu.memory_space<smem>>, %arg5: memref<1x3x512x512xf32, #tpu.memory_space<vmem>>) attributes {dimension_semantics = [#tpu.dimension_semantics<parallel>], iteration_bounds = array<i64: 16>, scalar_prefetch = 0 : i64, scratch_operands = 0 : i64, tpu.core_type = #tpu.core_type<tc>, window_params = [{transform_indices = @transform_0, window_bounds = array<i64: 1, 3, 512, 512>}, {transform_indices = @transform_1, window_bounds = array<i64: 16>}, {transform_indices = @transform_2, window_bounds = array<i64: 3, 3, 3, 3, 3>}, {transform_indices = @transform_3, window_bounds = array<i64: 3, 3>}, {transform_indices = @transform_4, window_bounds = array<i64: 1, 3, 512, 512>}]} {
    %get3A = arith.index_cast %arg0 : i32 to index
    %get3A_0 = memref.load %arg2[%get3A] : memref<16xi32, #tpu.memory_space<smem>>
    %get3A_1 = arith.constant 0 : index
    %get3A_2 = arith.constant 0 : index
    %get3A_3 = arith.constant 0 : index
    %get3A_4 = arith.constant 0 : index
    %get3A_5 = vector.load %arg1[%get3A_1, %get3A_2, %get3A_3, %get3A_4] : memref<1x3x512x512xf32, #tpu.memory_space<vmem>>, vector<1x3x512x512xf32>
    %get3A_6 = vector.shape_cast %get3A_5 : vector<1x3x512x512xf32> to vector<3x512x512xf32>
    %convert_element_type3A = arith.truncf %get3A_6 : vector<3x512x512xf32> to vector<3x512x512xbf16>
    %broadcast_in_dim3A = arith.constant 0.000000e+00 : bf16
    %broadcast_in_dim3A_7 = vector.broadcast %broadcast_in_dim3A : bf16 to vector<3x512x1xbf16>
    %broadcast_in_dim3A_8 = arith.constant 0.000000e+00 : bf16
    %broadcast_in_dim3A_9 = vector.broadcast %broadcast_in_dim3A_8 : bf16 to vector<1x512xbf16>
    %slice3A = vector.extract_strided_slice %convert_element_type3A {offsets = [0, 0, 0], sizes = [3, 512, 511], strides = [1, 1, 1]} : vector<3x512x512xbf16> to vector<3x512x511xbf16>
    %concatenate3A = tpu.concatenate %broadcast_in_dim3A_7, %slice3A in 2 : vector<3x512x1xbf16>, vector<3x512x511xbf16> -> vector<3x512x512xbf16>
    %slice3A_10 = vector.extract_strided_slice %convert_element_type3A {offsets = [0, 0, 1], sizes = [3, 512, 511], strides = [1, 1, 1]} : vector<3x512x512xbf16> to vector<3x512x511xbf16>
    %concatenate3A_11 = tpu.concatenate %slice3A_10, %broadcast_in_dim3A_7 in 2 : vector<3x512x511xbf16>, vector<3x512x1xbf16> -> vector<3x512x512xbf16>
    %slice3A_12 = vector.extract_strided_slice %concatenate3A {offsets = [0, 0, 0], sizes = [1, 512, 512], strides = [1, 1, 1]} : vector<3x512x512xbf16> to vector<1x512x512xbf16>
    %squeeze3A = vector.shape_cast %slice3A_12 : vector<1x512x512xbf16> to vector<512x512xbf16>
    %get3A_13 = arith.index_cast %get3A_0 : i32 to index
    %get3A_14 = arith.constant 0 : index
    %get3A_15 = arith.constant 0 : index
    %get3A_16 = arith.constant 0 : index
    %get3A_17 = arith.constant 0 : index
    %get3A_18 = memref.load %arg3[%get3A_13, %get3A_14, %get3A_15, %get3A_16, %get3A_17] : memref<3x3x3x3x3xf32, #tpu.memory_space<smem>>
    %convert_element_type3A_19 = arith.truncf %get3A_18 : f32 to bf16
    %mul3A = vector.broadcast %convert_element_type3A_19 : bf16 to vector<512x512xbf16>
    %mul3A_20 = arith.mulf %squeeze3A, %mul3A : vector<512x512xbf16>
    %slice3A_21 = vector.extract_strided_slice %convert_element_type3A {offsets = [0, 0, 0], sizes = [1, 512, 512], strides = [1, 1, 1]} : vector<3x512x512xbf16> to vector<1x512x512xbf16>
    %squeeze3A_22 = vector.shape_cast %slice3A_21 : vector<1x512x512xbf16> to vector<512x512xbf16>
    %get3A_23 = arith.index_cast %get3A_0 : i32 to index
    %get3A_24 = arith.constant 0 : index
    %get3A_25 = arith.constant 0 : index
    %get3A_26 = arith.constant 0 : index
    %get3A_27 = arith.constant 1 : index
    %get3A_28 = memref.load %arg3[%get3A_23, %get3A_24, %get3A_25, %get3A_26, %get3A_27] : memref<3x3x3x3x3xf32, #tpu.memory_space<smem>>
    %convert_element_type3A_29 = arith.truncf %get3A_28 : f32 to bf16
    %mul3A_30 = vector.broadcast %convert_element_type3A_29 : bf16 to vector<512x512xbf16>
    %mul3A_31 = arith.mulf %squeeze3A_22, %mul3A_30 : vector<512x512xbf16>
    %slice3A_32 = vector.extract_strided_slice %concatenate3A_11 {offsets = [0, 0, 0], sizes = [1, 512, 512], strides = [1, 1, 1]} : vector<3x512x512xbf16> to vector<1x512x512xbf16>
    %squeeze3A_33 = vector.shape_cast %slice3A_32 : vector<1x512x512xbf16> to vector<512x512xbf16>
    %get3A_34 = arith.index_cast %get3A_0 : i32 to index
    %get3A_35 = arith.constant 0 : index
    %get3A_36 = arith.constant 0 : index
    %get3A_37 = arith.constant 0 : index
    %get3A_38 = arith.constant 2 : index
    %get3A_39 = memref.load %arg3[%get3A_34, %get3A_35, %get3A_36, %get3A_37, %get3A_38] : memref<3x3x3x3x3xf32, #tpu.memory_space<smem>>
    %convert_element_type3A_40 = arith.truncf %get3A_39 : f32 to bf16
    %mul3A_41 = vector.broadcast %convert_element_type3A_40 : bf16 to vector<512x512xbf16>
    %mul3A_42 = arith.mulf %squeeze3A_33, %mul3A_41 : vector<512x512xbf16>
    %slice3A_43 = vector.extract_strided_slice %concatenate3A {offsets = [1, 0, 0], sizes = [1, 512, 512], strides = [1, 1, 1]} : vector<3x512x512xbf16> to vector<1x512x512xbf16>
    %squeeze3A_44 = vector.shape_cast %slice3A_43 : vector<1x512x512xbf16> to vector<512x512xbf16>
    %get3A_45 = arith.index_cast %get3A_0 : i32 to index
    %get3A_46 = arith.constant 0 : index
    %get3A_47 = arith.constant 1 : index
    %get3A_48 = arith.constant 0 : index
    %get3A_49 = arith.constant 0 : index
    %get3A_50 = memref.load %arg3[%get3A_45, %get3A_46, %get3A_47, %get3A_48, %get3A_49] : memref<3x3x3x3x3xf32, #tpu.memory_space<smem>>
    %convert_element_type3A_51 = arith.truncf %get3A_50 : f32 to bf16
    %mul3A_52 = vector.broadcast %convert_element_type3A_51 : bf16 to vector<512x512xbf16>
    %mul3A_53 = arith.mulf %squeeze3A_44, %mul3A_52 : vector<512x512xbf16>
    %slice3A_54 = vector.extract_strided_slice %convert_element_type3A {offsets = [1, 0, 0], sizes = [1, 512, 512], strides = [1, 1, 1]} : vector<3x512x512xbf16> to vector<1x512x512xbf16>
    %squeeze3A_55 = vector.shape_cast %slice3A_54 : vector<1x512x512xbf16> to vector<512x512xbf16>
    %get3A_56 = arith.index_cast %get3A_0 : i32 to index
    %get3A_57 = arith.constant 0 : index
    %get3A_58 = arith.constant 1 : index
    %get3A_59 = arith.constant 0 : index
    %get3A_60 = arith.constant 1 : index
    %get3A_61 = memref.load %arg3[%get3A_56, %get3A_57, %get3A_58, %get3A_59, %get3A_60] : memref<3x3x3x3x3xf32, #tpu.memory_space<smem>>
    %convert_element_type3A_62 = arith.truncf %get3A_61 : f32 to bf16
    %mul3A_63 = vector.broadcast %convert_element_type3A_62 : bf16 to vector<512x512xbf16>
    %mul3A_64 = arith.mulf %squeeze3A_55, %mul3A_63 : vector<512x512xbf16>
    %slice3A_65 = vector.extract_strided_slice %concatenate3A_11 {offsets = [1, 0, 0], sizes = [1, 512, 512], strides = [1, 1, 1]} : vector<3x512x512xbf16> to vector<1x512x512xbf16>
    %squeeze3A_66 = vector.shape_cast %slice3A_65 : vector<1x512x512xbf16> to vector<512x512xbf16>
    %get3A_67 = arith.index_cast %get3A_0 : i32 to index
    %get3A_68 = arith.constant 0 : index
    %get3A_69 = arith.constant 1 : index
    %get3A_70 = arith.constant 0 : index
    %get3A_71 = arith.constant 2 : index
    %get3A_72 = memref.load %arg3[%get3A_67, %get3A_68, %get3A_69, %get3A_70, %get3A_71] : memref<3x3x3x3x3xf32, #tpu.memory_space<smem>>
    %convert_element_type3A_73 = arith.truncf %get3A_72 : f32 to bf16
    %mul3A_74 = vector.broadcast %convert_element_type3A_73 : bf16 to vector<512x512xbf16>
    %mul3A_75 = arith.mulf %squeeze3A_66, %mul3A_74 : vector<512x512xbf16>
    %slice3A_76 = vector.extract_strided_slice %concatenate3A {offsets = [2, 0, 0], sizes = [1, 512, 512], strides = [1, 1, 1]} : vector<3x512x512xbf16> to vector<1x512x512xbf16>
    %squeeze3A_77 = vector.shape_cast %slice3A_76 : vector<1x512x512xbf16> to vector<512x512xbf16>
    %get3A_78 = arith.index_cast %get3A_0 : i32 to index
    %get3A_79 = arith.constant 0 : index
    %get3A_80 = arith.constant 2 : index
    %get3A_81 = arith.constant 0 : index
    %get3A_82 = arith.constant 0 : index
    %get3A_83 = memref.load %arg3[%get3A_78, %get3A_79, %get3A_80, %get3A_81, %get3A_82] : memref<3x3x3x3x3xf32, #tpu.memory_space<smem>>
    %convert_element_type3A_84 = arith.truncf %get3A_83 : f32 to bf16
    %mul3A_85 = vector.broadcast %convert_element_type3A_84 : bf16 to vector<512x512xbf16>
    %mul3A_86 = arith.mulf %squeeze3A_77, %mul3A_85 : vector<512x512xbf16>
    %slice3A_87 = vector.extract_strided_slice %convert_element_type3A {offsets = [2, 0, 0], sizes = [1, 512, 512], strides = [1, 1, 1]} : vector<3x512x512xbf16> to vector<1x512x512xbf16>
    %squeeze3A_88 = vector.shape_cast %slice3A_87 : vector<1x512x512xbf16> to vector<512x512xbf16>
    %get3A_89 = arith.index_cast %get3A_0 : i32 to index
    %get3A_90 = arith.constant 0 : index
    %get3A_91 = arith.constant 2 : index
    %get3A_92 = arith.constant 0 : index
    %get3A_93 = arith.constant 1 : index
    %get3A_94 = memref.load %arg3[%get3A_89, %get3A_90, %get3A_91, %get3A_92, %get3A_93] : memref<3x3x3x3x3xf32, #tpu.memory_space<smem>>
    %convert_element_type3A_95 = arith.truncf %get3A_94 : f32 to bf16
    %mul3A_96 = vector.broadcast %convert_element_type3A_95 : bf16 to vector<512x512xbf16>
    %mul3A_97 = arith.mulf %squeeze3A_88, %mul3A_96 : vector<512x512xbf16>
    %slice3A_98 = vector.extract_strided_slice %concatenate3A_11 {offsets = [2, 0, 0], sizes = [1, 512, 512], strides = [1, 1, 1]} : vector<3x512x512xbf16> to vector<1x512x512xbf16>
    %squeeze3A_99 = vector.shape_cast %slice3A_98 : vector<1x512x512xbf16> to vector<512x512xbf16>
    %get3A_100 = arith.index_cast %get3A_0 : i32 to index
    %get3A_101 = arith.constant 0 : index
    %get3A_102 = arith.constant 2 : index
    %get3A_103 = arith.constant 0 : index
    %get3A_104 = arith.constant 2 : index
    %get3A_105 = memref.load %arg3[%get3A_100, %get3A_101, %get3A_102, %get3A_103, %get3A_104] : memref<3x3x3x3x3xf32, #tpu.memory_space<smem>>
    %convert_element_type3A_106 = arith.truncf %get3A_105 : f32 to bf16
    %mul3A_107 = vector.broadcast %convert_element_type3A_106 : bf16 to vector<512x512xbf16>
    %mul3A_108 = arith.mulf %squeeze3A_99, %mul3A_107 : vector<512x512xbf16>
    %add3A = arith.addf %mul3A_20, %mul3A_31 : vector<512x512xbf16>
    %add3A_109 = arith.addf %mul3A_42, %mul3A_53 : vector<512x512xbf16>
    %add3A_110 = arith.addf %mul3A_64, %mul3A_75 : vector<512x512xbf16>
    %add3A_111 = arith.addf %mul3A_86, %mul3A_97 : vector<512x512xbf16>
    %add3A_112 = arith.addf %add3A, %add3A_109 : vector<512x512xbf16>
    %add3A_113 = arith.addf %add3A_110, %add3A_111 : vector<512x512xbf16>
    %add3A_114 = arith.addf %add3A_112, %add3A_113 : vector<512x512xbf16>
    %add3A_115 = arith.addf %add3A_114, %mul3A_108 : vector<512x512xbf16>
    %slice3A_116 = vector.extract_strided_slice %concatenate3A {offsets = [0, 0, 0], sizes = [1, 512, 512], strides = [1, 1, 1]} : vector<3x512x512xbf16> to vector<1x512x512xbf16>
    %squeeze3A_117 = vector.shape_cast %slice3A_116 : vector<1x512x512xbf16> to vector<512x512xbf16>
    %get3A_118 = arith.index_cast %get3A_0 : i32 to index
    %get3A_119 = arith.constant 0 : index
    %get3A_120 = arith.constant 0 : index
    %get3A_121 = arith.constant 1 : index
    %get3A_122 = arith.constant 0 : index
    %get3A_123 = memref.load %arg3[%get3A_118, %get3A_119, %get3A_120, %get3A_121, %get3A_122] : memref<3x3x3x3x3xf32, #tpu.memory_space<smem>>
    %convert_element_type3A_124 = arith.truncf %get3A_123 : f32 to bf16
    %mul3A_125 = vector.broadcast %convert_element_type3A_124 : bf16 to vector<512x512xbf16>
    %mul3A_126 = arith.mulf %squeeze3A_117, %mul3A_125 : vector<512x512xbf16>
    %slice3A_127 = vector.extract_strided_slice %convert_element_type3A {offsets = [0, 0, 0], sizes = [1, 512, 512], strides = [1, 1, 1]} : vector<3x512x512xbf16> to vector<1x512x512xbf16>
    %squeeze3A_128 = vector.shape_cast %slice3A_127 : vector<1x512x512xbf16> to vector<512x512xbf16>
    %get3A_129 = arith.index_cast %get3A_0 : i32 to index
    %get3A_130 = arith.constant 0 : index
    %get3A_131 = arith.constant 0 : index
    %get3A_132 = arith.constant 1 : index
    %get3A_133 = arith.constant 1 : index
    %get3A_134 = memref.load %arg3[%get3A_129, %get3A_130, %get3A_131, %get3A_132, %get3A_133] : memref<3x3x3x3x3xf32, #tpu.memory_space<smem>>
    %convert_element_type3A_135 = arith.truncf %get3A_134 : f32 to bf16
    %mul3A_136 = vector.broadcast %convert_element_type3A_135 : bf16 to vector<512x512xbf16>
    %mul3A_137 = arith.mulf %squeeze3A_128, %mul3A_136 : vector<512x512xbf16>
    %slice3A_138 = vector.extract_strided_slice %concatenate3A_11 {offsets = [0, 0, 0], sizes = [1, 512, 512], strides = [1, 1, 1]} : vector<3x512x512xbf16> to vector<1x512x512xbf16>
    %squeeze3A_139 = vector.shape_cast %slice3A_138 : vector<1x512x512xbf16> to vector<512x512xbf16>
    %get3A_140 = arith.index_cast %get3A_0 : i32 to index
    %get3A_141 = arith.constant 0 : index
    %get3A_142 = arith.constant 0 : index
    %get3A_143 = arith.constant 1 : index
    %get3A_144 = arith.constant 2 : index
    %get3A_145 = memref.load %arg3[%get3A_140, %get3A_141, %get3A_142, %get3A_143, %get3A_144] : memref<3x3x3x3x3xf32, #tpu.memory_space<smem>>
    %convert_element_type3A_146 = arith.truncf %get3A_145 : f32 to bf16
    %mul3A_147 = vector.broadcast %convert_element_type3A_146 : bf16 to vector<512x512xbf16>
    %mul3A_148 = arith.mulf %squeeze3A_139, %mul3A_147 : vector<512x512xbf16>
    %slice3A_149 = vector.extract_strided_slice %concatenate3A {offsets = [1, 0, 0], sizes = [1, 512, 512], strides = [1, 1, 1]} : vector<3x512x512xbf16> to vector<1x512x512xbf16>
    %squeeze3A_150 = vector.shape_cast %slice3A_149 : vector<1x512x512xbf16> to vector<512x512xbf16>
    %get3A_151 = arith.index_cast %get3A_0 : i32 to index
    %get3A_152 = arith.constant 0 : index
    %get3A_153 = arith.constant 1 : index
    %get3A_154 = arith.constant 1 : index
    %get3A_155 = arith.constant 0 : index
    %get3A_156 = memref.load %arg3[%get3A_151, %get3A_152, %get3A_153, %get3A_154, %get3A_155] : memref<3x3x3x3x3xf32, #tpu.memory_space<smem>>
    %convert_element_type3A_157 = arith.truncf %get3A_156 : f32 to bf16
    %mul3A_158 = vector.broadcast %convert_element_type3A_157 : bf16 to vector<512x512xbf16>
    %mul3A_159 = arith.mulf %squeeze3A_150, %mul3A_158 : vector<512x512xbf16>
    %slice3A_160 = vector.extract_strided_slice %convert_element_type3A {offsets = [1, 0, 0], sizes = [1, 512, 512], strides = [1, 1, 1]} : vector<3x512x512xbf16> to vector<1x512x512xbf16>
    %squeeze3A_161 = vector.shape_cast %slice3A_160 : vector<1x512x512xbf16> to vector<512x512xbf16>
    %get3A_162 = arith.index_cast %get3A_0 : i32 to index
    %get3A_163 = arith.constant 0 : index
    %get3A_164 = arith.constant 1 : index
    %get3A_165 = arith.constant 1 : index
    %get3A_166 = arith.constant 1 : index
    %get3A_167 = memref.load %arg3[%get3A_162, %get3A_163, %get3A_164, %get3A_165, %get3A_166] : memref<3x3x3x3x3xf32, #tpu.memory_space<smem>>
    %convert_element_type3A_168 = arith.truncf %get3A_167 : f32 to bf16
    %mul3A_169 = vector.broadcast %convert_element_type3A_168 : bf16 to vector<512x512xbf16>
    %mul3A_170 = arith.mulf %squeeze3A_161, %mul3A_169 : vector<512x512xbf16>
    %slice3A_171 = vector.extract_strided_slice %concatenate3A_11 {offsets = [1, 0, 0], sizes = [1, 512, 512], strides = [1, 1, 1]} : vector<3x512x512xbf16> to vector<1x512x512xbf16>
    %squeeze3A_172 = vector.shape_cast %slice3A_171 : vector<1x512x512xbf16> to vector<512x512xbf16>
    %get3A_173 = arith.index_cast %get3A_0 : i32 to index
    %get3A_174 = arith.constant 0 : index
    %get3A_175 = arith.constant 1 : index
    %get3A_176 = arith.constant 1 : index
    %get3A_177 = arith.constant 2 : index
    %get3A_178 = memref.load %arg3[%get3A_173, %get3A_174, %get3A_175, %get3A_176, %get3A_177] : memref<3x3x3x3x3xf32, #tpu.memory_space<smem>>
    %convert_element_type3A_179 = arith.truncf %get3A_178 : f32 to bf16
    %mul3A_180 = vector.broadcast %convert_element_type3A_179 : bf16 to vector<512x512xbf16>
    %mul3A_181 = arith.mulf %squeeze3A_172, %mul3A_180 : vector<512x512xbf16>
    %slice3A_182 = vector.extract_strided_slice %concatenate3A {offsets = [2, 0, 0], sizes = [1, 512, 512], strides = [1, 1, 1]} : vector<3x512x512xbf16> to vector<1x512x512xbf16>
    %squeeze3A_183 = vector.shape_cast %slice3A_182 : vector<1x512x512xbf16> to vector<512x512xbf16>
    %get3A_184 = arith.index_cast %get3A_0 : i32 to index
    %get3A_185 = arith.constant 0 : index
    %get3A_186 = arith.constant 2 : index
    %get3A_187 = arith.constant 1 : index
    %get3A_188 = arith.constant 0 : index
    %get3A_189 = memref.load %arg3[%get3A_184, %get3A_185, %get3A_186, %get3A_187, %get3A_188] : memref<3x3x3x3x3xf32, #tpu.memory_space<smem>>
    %convert_element_type3A_190 = arith.truncf %get3A_189 : f32 to bf16
    %mul3A_191 = vector.broadcast %convert_element_type3A_190 : bf16 to vector<512x512xbf16>
    %mul3A_192 = arith.mulf %squeeze3A_183, %mul3A_191 : vector<512x512xbf16>
    %slice3A_193 = vector.extract_strided_slice %convert_element_type3A {offsets = [2, 0, 0], sizes = [1, 512, 512], strides = [1, 1, 1]} : vector<3x512x512xbf16> to vector<1x512x512xbf16>
    %squeeze3A_194 = vector.shape_cast %slice3A_193 : vector<1x512x512xbf16> to vector<512x512xbf16>
    %get3A_195 = arith.index_cast %get3A_0 : i32 to index
    %get3A_196 = arith.constant 0 : index
    %get3A_197 = arith.constant 2 : index
    %get3A_198 = arith.constant 1 : index
    %get3A_199 = arith.constant 1 : index
    %get3A_200 = memref.load %arg3[%get3A_195, %get3A_196, %get3A_197, %get3A_198, %get3A_199] : memref<3x3x3x3x3xf32, #tpu.memory_space<smem>>
    %convert_element_type3A_201 = arith.truncf %get3A_200 : f32 to bf16
    %mul3A_202 = vector.broadcast %convert_element_type3A_201 : bf16 to vector<512x512xbf16>
    %mul3A_203 = arith.mulf %squeeze3A_194, %mul3A_202 : vector<512x512xbf16>
    %slice3A_204 = vector.extract_strided_slice %concatenate3A_11 {offsets = [2, 0, 0], sizes = [1, 512, 512], strides = [1, 1, 1]} : vector<3x512x512xbf16> to vector<1x512x512xbf16>
    %squeeze3A_205 = vector.shape_cast %slice3A_204 : vector<1x512x512xbf16> to vector<512x512xbf16>
    %get3A_206 = arith.index_cast %get3A_0 : i32 to index
    %get3A_207 = arith.constant 0 : index
    %get3A_208 = arith.constant 2 : index
    %get3A_209 = arith.constant 1 : index
    %get3A_210 = arith.constant 2 : index
    %get3A_211 = memref.load %arg3[%get3A_206, %get3A_207, %get3A_208, %get3A_209, %get3A_210] : memref<3x3x3x3x3xf32, #tpu.memory_space<smem>>
    %convert_element_type3A_212 = arith.truncf %get3A_211 : f32 to bf16
    %mul3A_213 = vector.broadcast %convert_element_type3A_212 : bf16 to vector<512x512xbf16>
    %mul3A_214 = arith.mulf %squeeze3A_205, %mul3A_213 : vector<512x512xbf16>
    %add3A_215 = arith.addf %mul3A_126, %mul3A_137 : vector<512x512xbf16>
    %add3A_216 = arith.addf %mul3A_148, %mul3A_159 : vector<512x512xbf16>
    %add3A_217 = arith.addf %mul3A_170, %mul3A_181 : vector<512x512xbf16>
    %add3A_218 = arith.addf %mul3A_192, %mul3A_203 : vector<512x512xbf16>
    %add3A_219 = arith.addf %add3A_215, %add3A_216 : vector<512x512xbf16>
    %add3A_220 = arith.addf %add3A_217, %add3A_218 : vector<512x512xbf16>
    %add3A_221 = arith.addf %add3A_219, %add3A_220 : vector<512x512xbf16>
    %add3A_222 = arith.addf %add3A_221, %mul3A_214 : vector<512x512xbf16>
    %slice3A_223 = vector.extract_strided_slice %concatenate3A {offsets = [0, 0, 0], sizes = [1, 512, 512], strides = [1, 1, 1]} : vector<3x512x512xbf16> to vector<1x512x512xbf16>
    %squeeze3A_224 = vector.shape_cast %slice3A_223 : vector<1x512x512xbf16> to vector<512x512xbf16>
    %get3A_225 = arith.index_cast %get3A_0 : i32 to index
    %get3A_226 = arith.constant 0 : index
    %get3A_227 = arith.constant 0 : index
    %get3A_228 = arith.constant 2 : index
    %get3A_229 = arith.constant 0 : index
    %get3A_230 = memref.load %arg3[%get3A_225, %get3A_226, %get3A_227, %get3A_228, %get3A_229] : memref<3x3x3x3x3xf32, #tpu.memory_space<smem>>
    %convert_element_type3A_231 = arith.truncf %get3A_230 : f32 to bf16
    %mul3A_232 = vector.broadcast %convert_element_type3A_231 : bf16 to vector<512x512xbf16>
    %mul3A_233 = arith.mulf %squeeze3A_224, %mul3A_232 : vector<512x512xbf16>
    %slice3A_234 = vector.extract_strided_slice %convert_element_type3A {offsets = [0, 0, 0], sizes = [1, 512, 512], strides = [1, 1, 1]} : vector<3x512x512xbf16> to vector<1x512x512xbf16>
    %squeeze3A_235 = vector.shape_cast %slice3A_234 : vector<1x512x512xbf16> to vector<512x512xbf16>
    %get3A_236 = arith.index_cast %get3A_0 : i32 to index
    %get3A_237 = arith.constant 0 : index
    %get3A_238 = arith.constant 0 : index
    %get3A_239 = arith.constant 2 : index
    %get3A_240 = arith.constant 1 : index
    %get3A_241 = memref.load %arg3[%get3A_236, %get3A_237, %get3A_238, %get3A_239, %get3A_240] : memref<3x3x3x3x3xf32, #tpu.memory_space<smem>>
    %convert_element_type3A_242 = arith.truncf %get3A_241 : f32 to bf16
    %mul3A_243 = vector.broadcast %convert_element_type3A_242 : bf16 to vector<512x512xbf16>
    %mul3A_244 = arith.mulf %squeeze3A_235, %mul3A_243 : vector<512x512xbf16>
    %slice3A_245 = vector.extract_strided_slice %concatenate3A_11 {offsets = [0, 0, 0], sizes = [1, 512, 512], strides = [1, 1, 1]} : vector<3x512x512xbf16> to vector<1x512x512xbf16>
    %squeeze3A_246 = vector.shape_cast %slice3A_245 : vector<1x512x512xbf16> to vector<512x512xbf16>
    %get3A_247 = arith.index_cast %get3A_0 : i32 to index
    %get3A_248 = arith.constant 0 : index
    %get3A_249 = arith.constant 0 : index
    %get3A_250 = arith.constant 2 : index
    %get3A_251 = arith.constant 2 : index
    %get3A_252 = memref.load %arg3[%get3A_247, %get3A_248, %get3A_249, %get3A_250, %get3A_251] : memref<3x3x3x3x3xf32, #tpu.memory_space<smem>>
    %convert_element_type3A_253 = arith.truncf %get3A_252 : f32 to bf16
    %mul3A_254 = vector.broadcast %convert_element_type3A_253 : bf16 to vector<512x512xbf16>
    %mul3A_255 = arith.mulf %squeeze3A_246, %mul3A_254 : vector<512x512xbf16>
    %slice3A_256 = vector.extract_strided_slice %concatenate3A {offsets = [1, 0, 0], sizes = [1, 512, 512], strides = [1, 1, 1]} : vector<3x512x512xbf16> to vector<1x512x512xbf16>
    %squeeze3A_257 = vector.shape_cast %slice3A_256 : vector<1x512x512xbf16> to vector<512x512xbf16>
    %get3A_258 = arith.index_cast %get3A_0 : i32 to index
    %get3A_259 = arith.constant 0 : index
    %get3A_260 = arith.constant 1 : index
    %get3A_261 = arith.constant 2 : index
    %get3A_262 = arith.constant 0 : index
    %get3A_263 = memref.load %arg3[%get3A_258, %get3A_259, %get3A_260, %get3A_261, %get3A_262] : memref<3x3x3x3x3xf32, #tpu.memory_space<smem>>
    %convert_element_type3A_264 = arith.truncf %get3A_263 : f32 to bf16
    %mul3A_265 = vector.broadcast %convert_element_type3A_264 : bf16 to vector<512x512xbf16>
    %mul3A_266 = arith.mulf %squeeze3A_257, %mul3A_265 : vector<512x512xbf16>
    %slice3A_267 = vector.extract_strided_slice %convert_element_type3A {offsets = [1, 0, 0], sizes = [1, 512, 512], strides = [1, 1, 1]} : vector<3x512x512xbf16> to vector<1x512x512xbf16>
    %squeeze3A_268 = vector.shape_cast %slice3A_267 : vector<1x512x512xbf16> to vector<512x512xbf16>
    %get3A_269 = arith.index_cast %get3A_0 : i32 to index
    %get3A_270 = arith.constant 0 : index
    %get3A_271 = arith.constant 1 : index
    %get3A_272 = arith.constant 2 : index
    %get3A_273 = arith.constant 1 : index
    %get3A_274 = memref.load %arg3[%get3A_269, %get3A_270, %get3A_271, %get3A_272, %get3A_273] : memref<3x3x3x3x3xf32, #tpu.memory_space<smem>>
    %convert_element_type3A_275 = arith.truncf %get3A_274 : f32 to bf16
    %mul3A_276 = vector.broadcast %convert_element_type3A_275 : bf16 to vector<512x512xbf16>
    %mul3A_277 = arith.mulf %squeeze3A_268, %mul3A_276 : vector<512x512xbf16>
    %slice3A_278 = vector.extract_strided_slice %concatenate3A_11 {offsets = [1, 0, 0], sizes = [1, 512, 512], strides = [1, 1, 1]} : vector<3x512x512xbf16> to vector<1x512x512xbf16>
    %squeeze3A_279 = vector.shape_cast %slice3A_278 : vector<1x512x512xbf16> to vector<512x512xbf16>
    %get3A_280 = arith.index_cast %get3A_0 : i32 to index
    %get3A_281 = arith.constant 0 : index
    %get3A_282 = arith.constant 1 : index
    %get3A_283 = arith.constant 2 : index
    %get3A_284 = arith.constant 2 : index
    %get3A_285 = memref.load %arg3[%get3A_280, %get3A_281, %get3A_282, %get3A_283, %get3A_284] : memref<3x3x3x3x3xf32, #tpu.memory_space<smem>>
    %convert_element_type3A_286 = arith.truncf %get3A_285 : f32 to bf16
    %mul3A_287 = vector.broadcast %convert_element_type3A_286 : bf16 to vector<512x512xbf16>
    %mul3A_288 = arith.mulf %squeeze3A_279, %mul3A_287 : vector<512x512xbf16>
    %slice3A_289 = vector.extract_strided_slice %concatenate3A {offsets = [2, 0, 0], sizes = [1, 512, 512], strides = [1, 1, 1]} : vector<3x512x512xbf16> to vector<1x512x512xbf16>
    %squeeze3A_290 = vector.shape_cast %slice3A_289 : vector<1x512x512xbf16> to vector<512x512xbf16>
    %get3A_291 = arith.index_cast %get3A_0 : i32 to index
    %get3A_292 = arith.constant 0 : index
    %get3A_293 = arith.constant 2 : index
    %get3A_294 = arith.constant 2 : index
    %get3A_295 = arith.constant 0 : index
    %get3A_296 = memref.load %arg3[%get3A_291, %get3A_292, %get3A_293, %get3A_294, %get3A_295] : memref<3x3x3x3x3xf32, #tpu.memory_space<smem>>
    %convert_element_type3A_297 = arith.truncf %get3A_296 : f32 to bf16
    %mul3A_298 = vector.broadcast %convert_element_type3A_297 : bf16 to vector<512x512xbf16>
    %mul3A_299 = arith.mulf %squeeze3A_290, %mul3A_298 : vector<512x512xbf16>
    %slice3A_300 = vector.extract_strided_slice %convert_element_type3A {offsets = [2, 0, 0], sizes = [1, 512, 512], strides = [1, 1, 1]} : vector<3x512x512xbf16> to vector<1x512x512xbf16>
    %squeeze3A_301 = vector.shape_cast %slice3A_300 : vector<1x512x512xbf16> to vector<512x512xbf16>
    %get3A_302 = arith.index_cast %get3A_0 : i32 to index
    %get3A_303 = arith.constant 0 : index
    %get3A_304 = arith.constant 2 : index
    %get3A_305 = arith.constant 2 : index
    %get3A_306 = arith.constant 1 : index
    %get3A_307 = memref.load %arg3[%get3A_302, %get3A_303, %get3A_304, %get3A_305, %get3A_306] : memref<3x3x3x3x3xf32, #tpu.memory_space<smem>>
    %convert_element_type3A_308 = arith.truncf %get3A_307 : f32 to bf16
    %mul3A_309 = vector.broadcast %convert_element_type3A_308 : bf16 to vector<512x512xbf16>
    %mul3A_310 = arith.mulf %squeeze3A_301, %mul3A_309 : vector<512x512xbf16>
    %slice3A_311 = vector.extract_strided_slice %concatenate3A_11 {offsets = [2, 0, 0], sizes = [1, 512, 512], strides = [1, 1, 1]} : vector<3x512x512xbf16> to vector<1x512x512xbf16>
    %squeeze3A_312 = vector.shape_cast %slice3A_311 : vector<1x512x512xbf16> to vector<512x512xbf16>
    %get3A_313 = arith.index_cast %get3A_0 : i32 to index
    %get3A_314 = arith.constant 0 : index
    %get3A_315 = arith.constant 2 : index
    %get3A_316 = arith.constant 2 : index
    %get3A_317 = arith.constant 2 : index
    %get3A_318 = memref.load %arg3[%get3A_313, %get3A_314, %get3A_315, %get3A_316, %get3A_317] : memref<3x3x3x3x3xf32, #tpu.memory_space<smem>>
    %convert_element_type3A_319 = arith.truncf %get3A_318 : f32 to bf16
    %mul3A_320 = vector.broadcast %convert_element_type3A_319 : bf16 to vector<512x512xbf16>
    %mul3A_321 = arith.mulf %squeeze3A_312, %mul3A_320 : vector<512x512xbf16>
    %add3A_322 = arith.addf %mul3A_233, %mul3A_244 : vector<512x512xbf16>
    %add3A_323 = arith.addf %mul3A_255, %mul3A_266 : vector<512x512xbf16>
    %add3A_324 = arith.addf %mul3A_277, %mul3A_288 : vector<512x512xbf16>
    %add3A_325 = arith.addf %mul3A_299, %mul3A_310 : vector<512x512xbf16>
    %add3A_326 = arith.addf %add3A_322, %add3A_323 : vector<512x512xbf16>
    %add3A_327 = arith.addf %add3A_324, %add3A_325 : vector<512x512xbf16>
    %add3A_328 = arith.addf %add3A_326, %add3A_327 : vector<512x512xbf16>
    %add3A_329 = arith.addf %add3A_328, %mul3A_321 : vector<512x512xbf16>
    %slice3A_330 = vector.extract_strided_slice %add3A_115 {offsets = [0, 0], sizes = [511, 512], strides = [1, 1]} : vector<512x512xbf16> to vector<511x512xbf16>
    %concatenate3A_331 = tpu.concatenate %broadcast_in_dim3A_9, %slice3A_330 in 0 : vector<1x512xbf16>, vector<511x512xbf16> -> vector<512x512xbf16>
    %slice3A_332 = vector.extract_strided_slice %add3A_329 {offsets = [1, 0], sizes = [511, 512], strides = [1, 1]} : vector<512x512xbf16> to vector<511x512xbf16>
    %concatenate3A_333 = tpu.concatenate %slice3A_332, %broadcast_in_dim3A_9 in 0 : vector<511x512xbf16>, vector<1x512xbf16> -> vector<512x512xbf16>
    %add3A_334 = arith.addf %concatenate3A_331, %add3A_222 : vector<512x512xbf16>
    %get3A_335 = arith.index_cast %get3A_0 : i32 to index
    %get3A_336 = arith.constant 0 : index
    %get3A_337 = memref.load %arg4[%get3A_335, %get3A_336] : memref<3x3xf32, #tpu.memory_space<smem>>
    %convert_element_type3A_338 = arith.truncf %get3A_337 : f32 to bf16
    %add3A_339 = vector.broadcast %convert_element_type3A_338 : bf16 to vector<512x512xbf16>
    %add3A_340 = arith.addf %concatenate3A_333, %add3A_339 : vector<512x512xbf16>
    %add3A_341 = arith.addf %add3A_334, %add3A_340 : vector<512x512xbf16>
    %convert_element_type3A_342 = arith.extf %add3A_341 : vector<512x512xbf16> to vector<512x512xf32>
    %swap3A = arith.constant 0 : index
    %swap3A_343 = arith.constant 0 : index
    %swap3A_344 = arith.constant 0 : index
    %swap3A_345 = arith.constant 0 : index
    %swap3A_346 = vector.load %arg5[%swap3A, %swap3A_343, %swap3A_344, %swap3A_345] : memref<1x3x512x512xf32, #tpu.memory_space<vmem>>, vector<1x1x512x512xf32>
    %swap3A_347 = vector.shape_cast %swap3A_346 : vector<1x1x512x512xf32> to vector<512x512xf32>
    %swap3A_348 = vector.shape_cast %convert_element_type3A_342 : vector<512x512xf32> to vector<1x1x512x512xf32>
    tpu.vector_store %arg5[%swap3A, %swap3A_343, %swap3A_344, %swap3A_345], %swap3A_348 {strides = array<i32>} : memref<1x3x512x512xf32, #tpu.memory_space<vmem>>, vector<1x1x512x512xf32>,
    %slice3A_349 = vector.extract_strided_slice %concatenate3A {offsets = [0, 0, 0], sizes = [1, 512, 512], strides = [1, 1, 1]} : vector<3x512x512xbf16> to vector<1x512x512xbf16>
    %squeeze3A_350 = vector.shape_cast %slice3A_349 : vector<1x512x512xbf16> to vector<512x512xbf16>
    %get3A_351 = arith.index_cast %get3A_0 : i32 to index
    %get3A_352 = arith.constant 1 : index
    %get3A_353 = arith.constant 0 : index
    %get3A_354 = arith.constant 0 : index
    %get3A_355 = arith.constant 0 : index
    %get3A_356 = memref.load %arg3[%get3A_351, %get3A_352, %get3A_353, %get3A_354, %get3A_355] : memref<3x3x3x3x3xf32, #tpu.memory_space<smem>>
    %convert_element_type3A_357 = arith.truncf %get3A_356 : f32 to bf16
    %mul3A_358 = vector.broadcast %convert_element_type3A_357 : bf16 to vector<512x512xbf16>
    %mul3A_359 = arith.mulf %squeeze3A_350, %mul3A_358 : vector<512x512xbf16>
    %slice3A_360 = vector.extract_strided_slice %convert_element_type3A {offsets = [0, 0, 0], sizes = [1, 512, 512], strides = [1, 1, 1]} : vector<3x512x512xbf16> to vector<1x512x512xbf16>
    %squeeze3A_361 = vector.shape_cast %slice3A_360 : vector<1x512x512xbf16> to vector<512x512xbf16>
    %get3A_362 = arith.index_cast %get3A_0 : i32 to index
    %get3A_363 = arith.constant 1 : index
    %get3A_364 = arith.constant 0 : index
    %get3A_365 = arith.constant 0 : index
    %get3A_366 = arith.constant 1 : index
    %get3A_367 = memref.load %arg3[%get3A_362, %get3A_363, %get3A_364, %get3A_365, %get3A_366] : memref<3x3x3x3x3xf32, #tpu.memory_space<smem>>
    %convert_element_type3A_368 = arith.truncf %get3A_367 : f32 to bf16
    %mul3A_369 = vector.broadcast %convert_element_type3A_368 : bf16 to vector<512x512xbf16>
    %mul3A_370 = arith.mulf %squeeze3A_361, %mul3A_369 : vector<512x512xbf16>
    %slice3A_371 = vector.extract_strided_slice %concatenate3A_11 {offsets = [0, 0, 0], sizes = [1, 512, 512], strides = [1, 1, 1]} : vector<3x512x512xbf16> to vector<1x512x512xbf16>
    %squeeze3A_372 = vector.shape_cast %slice3A_371 : vector<1x512x512xbf16> to vector<512x512xbf16>
    %get3A_373 = arith.index_cast %get3A_0 : i32 to index
    %get3A_374 = arith.constant 1 : index
    %get3A_375 = arith.constant 0 : index
    %get3A_376 = arith.constant 0 : index
    %get3A_377 = arith.constant 2 : index
    %get3A_378 = memref.load %arg3[%get3A_373, %get3A_374, %get3A_375, %get3A_376, %get3A_377] : memref<3x3x3x3x3xf32, #tpu.memory_space<smem>>
    %convert_element_type3A_379 = arith.truncf %get3A_378 : f32 to bf16
    %mul3A_380 = vector.broadcast %convert_element_type3A_379 : bf16 to vector<512x512xbf16>
    %mul3A_381 = arith.mulf %squeeze3A_372, %mul3A_380 : vector<512x512xbf16>
    %slice3A_382 = vector.extract_strided_slice %concatenate3A {offsets = [1, 0, 0], sizes = [1, 512, 512], strides = [1, 1, 1]} : vector<3x512x512xbf16> to vector<1x512x512xbf16>
    %squeeze3A_383 = vector.shape_cast %slice3A_382 : vector<1x512x512xbf16> to vector<512x512xbf16>
    %get3A_384 = arith.index_cast %get3A_0 : i32 to index
    %get3A_385 = arith.constant 1 : index
    %get3A_386 = arith.constant 1 : index
    %get3A_387 = arith.constant 0 : index
    %get3A_388 = arith.constant 0 : index
    %get3A_389 = memref.load %arg3[%get3A_384, %get3A_385, %get3A_386, %get3A_387, %get3A_388] : memref<3x3x3x3x3xf32, #tpu.memory_space<smem>>
    %convert_element_type3A_390 = arith.truncf %get3A_389 : f32 to bf16
    %mul3A_391 = vector.broadcast %convert_element_type3A_390 : bf16 to vector<512x512xbf16>
    %mul3A_392 = arith.mulf %squeeze3A_383, %mul3A_391 : vector<512x512xbf16>
    %slice3A_393 = vector.extract_strided_slice %convert_element_type3A {offsets = [1, 0, 0], sizes = [1, 512, 512], strides = [1, 1, 1]} : vector<3x512x512xbf16> to vector<1x512x512xbf16>
    %squeeze3A_394 = vector.shape_cast %slice3A_393 : vector<1x512x512xbf16> to vector<512x512xbf16>
    %get3A_395 = arith.index_cast %get3A_0 : i32 to index
    %get3A_396 = arith.constant 1 : index
    %get3A_397 = arith.constant 1 : index
    %get3A_398 = arith.constant 0 : index
    %get3A_399 = arith.constant 1 : index
    %get3A_400 = memref.load %arg3[%get3A_395, %get3A_396, %get3A_397, %get3A_398, %get3A_399] : memref<3x3x3x3x3xf32, #tpu.memory_space<smem>>
    %convert_element_type3A_401 = arith.truncf %get3A_400 : f32 to bf16
    %mul3A_402 = vector.broadcast %convert_element_type3A_401 : bf16 to vector<512x512xbf16>
    %mul3A_403 = arith.mulf %squeeze3A_394, %mul3A_402 : vector<512x512xbf16>
    %slice3A_404 = vector.extract_strided_slice %concatenate3A_11 {offsets = [1, 0, 0], sizes = [1, 512, 512], strides = [1, 1, 1]} : vector<3x512x512xbf16> to vector<1x512x512xbf16>
    %squeeze3A_405 = vector.shape_cast %slice3A_404 : vector<1x512x512xbf16> to vector<512x512xbf16>
    %get3A_406 = arith.index_cast %get3A_0 : i32 to index
    %get3A_407 = arith.constant 1 : index
    %get3A_408 = arith.constant 1 : index
    %get3A_409 = arith.constant 0 : index
    %get3A_410 = arith.constant 2 : index
    %get3A_411 = memref.load %arg3[%get3A_406, %get3A_407, %get3A_408, %get3A_409, %get3A_410] : memref<3x3x3x3x3xf32, #tpu.memory_space<smem>>
    %convert_element_type3A_412 = arith.truncf %get3A_411 : f32 to bf16
    %mul3A_413 = vector.broadcast %convert_element_type3A_412 : bf16 to vector<512x512xbf16>
    %mul3A_414 = arith.mulf %squeeze3A_405, %mul3A_413 : vector<512x512xbf16>
    %slice3A_415 = vector.extract_strided_slice %concatenate3A {offsets = [2, 0, 0], sizes = [1, 512, 512], strides = [1, 1, 1]} : vector<3x512x512xbf16> to vector<1x512x512xbf16>
    %squeeze3A_416 = vector.shape_cast %slice3A_415 : vector<1x512x512xbf16> to vector<512x512xbf16>
    %get3A_417 = arith.index_cast %get3A_0 : i32 to index
    %get3A_418 = arith.constant 1 : index
    %get3A_419 = arith.constant 2 : index
    %get3A_420 = arith.constant 0 : index
    %get3A_421 = arith.constant 0 : index
    %get3A_422 = memref.load %arg3[%get3A_417, %get3A_418, %get3A_419, %get3A_420, %get3A_421] : memref<3x3x3x3x3xf32, #tpu.memory_space<smem>>
    %convert_element_type3A_423 = arith.truncf %get3A_422 : f32 to bf16
    %mul3A_424 = vector.broadcast %convert_element_type3A_423 : bf16 to vector<512x512xbf16>
    %mul3A_425 = arith.mulf %squeeze3A_416, %mul3A_424 : vector<512x512xbf16>
    %slice3A_426 = vector.extract_strided_slice %convert_element_type3A {offsets = [2, 0, 0], sizes = [1, 512, 512], strides = [1, 1, 1]} : vector<3x512x512xbf16> to vector<1x512x512xbf16>
    %squeeze3A_427 = vector.shape_cast %slice3A_426 : vector<1x512x512xbf16> to vector<512x512xbf16>
    %get3A_428 = arith.index_cast %get3A_0 : i32 to index
    %get3A_429 = arith.constant 1 : index
    %get3A_430 = arith.constant 2 : index
    %get3A_431 = arith.constant 0 : index
    %get3A_432 = arith.constant 1 : index
    %get3A_433 = memref.load %arg3[%get3A_428, %get3A_429, %get3A_430, %get3A_431, %get3A_432] : memref<3x3x3x3x3xf32, #tpu.memory_space<smem>>
    %convert_element_type3A_434 = arith.truncf %get3A_433 : f32 to bf16
    %mul3A_435 = vector.broadcast %convert_element_type3A_434 : bf16 to vector<512x512xbf16>
    %mul3A_436 = arith.mulf %squeeze3A_427, %mul3A_435 : vector<512x512xbf16>
    %slice3A_437 = vector.extract_strided_slice %concatenate3A_11 {offsets = [2, 0, 0], sizes = [1, 512, 512], strides = [1, 1, 1]} : vector<3x512x512xbf16> to vector<1x512x512xbf16>
    %squeeze3A_438 = vector.shape_cast %slice3A_437 : vector<1x512x512xbf16> to vector<512x512xbf16>
    %get3A_439 = arith.index_cast %get3A_0 : i32 to index
    %get3A_440 = arith.constant 1 : index
    %get3A_441 = arith.constant 2 : index
    %get3A_442 = arith.constant 0 : index
    %get3A_443 = arith.constant 2 : index
    %get3A_444 = memref.load %arg3[%get3A_439, %get3A_440, %get3A_441, %get3A_442, %get3A_443] : memref<3x3x3x3x3xf32, #tpu.memory_space<smem>>
    %convert_element_type3A_445 = arith.truncf %get3A_444 : f32 to bf16
    %mul3A_446 = vector.broadcast %convert_element_type3A_445 : bf16 to vector<512x512xbf16>
    %mul3A_447 = arith.mulf %squeeze3A_438, %mul3A_446 : vector<512x512xbf16>
    %add3A_448 = arith.addf %mul3A_359, %mul3A_370 : vector<512x512xbf16>
    %add3A_449 = arith.addf %mul3A_381, %mul3A_392 : vector<512x512xbf16>
    %add3A_450 = arith.addf %mul3A_403, %mul3A_414 : vector<512x512xbf16>
    %add3A_451 = arith.addf %mul3A_425, %mul3A_436 : vector<512x512xbf16>
    %add3A_452 = arith.addf %add3A_448, %add3A_449 : vector<512x512xbf16>
    %add3A_453 = arith.addf %add3A_450, %add3A_451 : vector<512x512xbf16>
    %add3A_454 = arith.addf %add3A_452, %add3A_453 : vector<512x512xbf16>
    %add3A_455 = arith.addf %add3A_454, %mul3A_447 : vector<512x512xbf16>
    %slice3A_456 = vector.extract_strided_slice %concatenate3A {offsets = [0, 0, 0], sizes = [1, 512, 512], strides = [1, 1, 1]} : vector<3x512x512xbf16> to vector<1x512x512xbf16>
    %squeeze3A_457 = vector.shape_cast %slice3A_456 : vector<1x512x512xbf16> to vector<512x512xbf16>
    %get3A_458 = arith.index_cast %get3A_0 : i32 to index
    %get3A_459 = arith.constant 1 : index
    %get3A_460 = arith.constant 0 : index
    %get3A_461 = arith.constant 1 : index
    %get3A_462 = arith.constant 0 : index
    %get3A_463 = memref.load %arg3[%get3A_458, %get3A_459, %get3A_460, %get3A_461, %get3A_462] : memref<3x3x3x3x3xf32, #tpu.memory_space<smem>>
    %convert_element_type3A_464 = arith.truncf %get3A_463 : f32 to bf16
    %mul3A_465 = vector.broadcast %convert_element_type3A_464 : bf16 to vector<512x512xbf16>
    %mul3A_466 = arith.mulf %squeeze3A_457, %mul3A_465 : vector<512x512xbf16>
    %slice3A_467 = vector.extract_strided_slice %convert_element_type3A {offsets = [0, 0, 0], sizes = [1, 512, 512], strides = [1, 1, 1]} : vector<3x512x512xbf16> to vector<1x512x512xbf16>
    %squeeze3A_468 = vector.shape_cast %slice3A_467 : vector<1x512x512xbf16> to vector<512x512xbf16>
    %get3A_469 = arith.index_cast %get3A_0 : i32 to index
    %get3A_470 = arith.constant 1 : index
    %get3A_471 = arith.constant 0 : index
    %get3A_472 = arith.constant 1 : index
    %get3A_473 = arith.constant 1 : index
    %get3A_474 = memref.load %arg3[%get3A_469, %get3A_470, %get3A_471, %get3A_472, %get3A_473] : memref<3x3x3x3x3xf32, #tpu.memory_space<smem>>
    %convert_element_type3A_475 = arith.truncf %get3A_474 : f32 to bf16
    %mul3A_476 = vector.broadcast %convert_element_type3A_475 : bf16 to vector<512x512xbf16>
    %mul3A_477 = arith.mulf %squeeze3A_468, %mul3A_476 : vector<512x512xbf16>
    %slice3A_478 = vector.extract_strided_slice %concatenate3A_11 {offsets = [0, 0, 0], sizes = [1, 512, 512], strides = [1, 1, 1]} : vector<3x512x512xbf16> to vector<1x512x512xbf16>
    %squeeze3A_479 = vector.shape_cast %slice3A_478 : vector<1x512x512xbf16> to vector<512x512xbf16>
    %get3A_480 = arith.index_cast %get3A_0 : i32 to index
    %get3A_481 = arith.constant 1 : index
    %get3A_482 = arith.constant 0 : index
    %get3A_483 = arith.constant 1 : index
    %get3A_484 = arith.constant 2 : index
    %get3A_485 = memref.load %arg3[%get3A_480, %get3A_481, %get3A_482, %get3A_483, %get3A_484] : memref<3x3x3x3x3xf32, #tpu.memory_space<smem>>
    %convert_element_type3A_486 = arith.truncf %get3A_485 : f32 to bf16
    %mul3A_487 = vector.broadcast %convert_element_type3A_486 : bf16 to vector<512x512xbf16>
    %mul3A_488 = arith.mulf %squeeze3A_479, %mul3A_487 : vector<512x512xbf16>
    %slice3A_489 = vector.extract_strided_slice %concatenate3A {offsets = [1, 0, 0], sizes = [1, 512, 512], strides = [1, 1, 1]} : vector<3x512x512xbf16> to vector<1x512x512xbf16>
    %squeeze3A_490 = vector.shape_cast %slice3A_489 : vector<1x512x512xbf16> to vector<512x512xbf16>
    %get3A_491 = arith.index_cast %get3A_0 : i32 to index
    %get3A_492 = arith.constant 1 : index
    %get3A_493 = arith.constant 1 : index
    %get3A_494 = arith.constant 1 : index
    %get3A_495 = arith.constant 0 : index
    %get3A_496 = memref.load %arg3[%get3A_491, %get3A_492, %get3A_493, %get3A_494, %get3A_495] : memref<3x3x3x3x3xf32, #tpu.memory_space<smem>>
    %convert_element_type3A_497 = arith.truncf %get3A_496 : f32 to bf16
    %mul3A_498 = vector.broadcast %convert_element_type3A_497 : bf16 to vector<512x512xbf16>
    %mul3A_499 = arith.mulf %squeeze3A_490, %mul3A_498 : vector<512x512xbf16>
    %slice3A_500 = vector.extract_strided_slice %convert_element_type3A {offsets = [1, 0, 0], sizes = [1, 512, 512], strides = [1, 1, 1]} : vector<3x512x512xbf16> to vector<1x512x512xbf16>
    %squeeze3A_501 = vector.shape_cast %slice3A_500 : vector<1x512x512xbf16> to vector<512x512xbf16>
    %get3A_502 = arith.index_cast %get3A_0 : i32 to index
    %get3A_503 = arith.constant 1 : index
    %get3A_504 = arith.constant 1 : index
    %get3A_505 = arith.constant 1 : index
    %get3A_506 = arith.constant 1 : index
    %get3A_507 = memref.load %arg3[%get3A_502, %get3A_503, %get3A_504, %get3A_505, %get3A_506] : memref<3x3x3x3x3xf32, #tpu.memory_space<smem>>
    %convert_element_type3A_508 = arith.truncf %get3A_507 : f32 to bf16
    %mul3A_509 = vector.broadcast %convert_element_type3A_508 : bf16 to vector<512x512xbf16>
    %mul3A_510 = arith.mulf %squeeze3A_501, %mul3A_509 : vector<512x512xbf16>
    %slice3A_511 = vector.extract_strided_slice %concatenate3A_11 {offsets = [1, 0, 0], sizes = [1, 512, 512], strides = [1, 1, 1]} : vector<3x512x512xbf16> to vector<1x512x512xbf16>
    %squeeze3A_512 = vector.shape_cast %slice3A_511 : vector<1x512x512xbf16> to vector<512x512xbf16>
    %get3A_513 = arith.index_cast %get3A_0 : i32 to index
    %get3A_514 = arith.constant 1 : index
    %get3A_515 = arith.constant 1 : index
    %get3A_516 = arith.constant 1 : index
    %get3A_517 = arith.constant 2 : index
    %get3A_518 = memref.load %arg3[%get3A_513, %get3A_514, %get3A_515, %get3A_516, %get3A_517] : memref<3x3x3x3x3xf32, #tpu.memory_space<smem>>
    %convert_element_type3A_519 = arith.truncf %get3A_518 : f32 to bf16
    %mul3A_520 = vector.broadcast %convert_element_type3A_519 : bf16 to vector<512x512xbf16>
    %mul3A_521 = arith.mulf %squeeze3A_512, %mul3A_520 : vector<512x512xbf16>
    %slice3A_522 = vector.extract_strided_slice %concatenate3A {offsets = [2, 0, 0], sizes = [1, 512, 512], strides = [1, 1, 1]} : vector<3x512x512xbf16> to vector<1x512x512xbf16>
    %squeeze3A_523 = vector.shape_cast %slice3A_522 : vector<1x512x512xbf16> to vector<512x512xbf16>
    %get3A_524 = arith.index_cast %get3A_0 : i32 to index
    %get3A_525 = arith.constant 1 : index
    %get3A_526 = arith.constant 2 : index
    %get3A_527 = arith.constant 1 : index
    %get3A_528 = arith.constant 0 : index
    %get3A_529 = memref.load %arg3[%get3A_524, %get3A_525, %get3A_526, %get3A_527, %get3A_528] : memref<3x3x3x3x3xf32, #tpu.memory_space<smem>>
    %convert_element_type3A_530 = arith.truncf %get3A_529 : f32 to bf16
    %mul3A_531 = vector.broadcast %convert_element_type3A_530 : bf16 to vector<512x512xbf16>
    %mul3A_532 = arith.mulf %squeeze3A_523, %mul3A_531 : vector<512x512xbf16>
    %slice3A_533 = vector.extract_strided_slice %convert_element_type3A {offsets = [2, 0, 0], sizes = [1, 512, 512], strides = [1, 1, 1]} : vector<3x512x512xbf16> to vector<1x512x512xbf16>
    %squeeze3A_534 = vector.shape_cast %slice3A_533 : vector<1x512x512xbf16> to vector<512x512xbf16>
    %get3A_535 = arith.index_cast %get3A_0 : i32 to index
    %get3A_536 = arith.constant 1 : index
    %get3A_537 = arith.constant 2 : index
    %get3A_538 = arith.constant 1 : index
    %get3A_539 = arith.constant 1 : index
    %get3A_540 = memref.load %arg3[%get3A_535, %get3A_536, %get3A_537, %get3A_538, %get3A_539] : memref<3x3x3x3x3xf32, #tpu.memory_space<smem>>
    %convert_element_type3A_541 = arith.truncf %get3A_540 : f32 to bf16
    %mul3A_542 = vector.broadcast %convert_element_type3A_541 : bf16 to vector<512x512xbf16>
    %mul3A_543 = arith.mulf %squeeze3A_534, %mul3A_542 : vector<512x512xbf16>
    %slice3A_544 = vector.extract_strided_slice %concatenate3A_11 {offsets = [2, 0, 0], sizes = [1, 512, 512], strides = [1, 1, 1]} : vector<3x512x512xbf16> to vector<1x512x512xbf16>
    %squeeze3A_545 = vector.shape_cast %slice3A_544 : vector<1x512x512xbf16> to vector<512x512xbf16>
    %get3A_546 = arith.index_cast %get3A_0 : i32 to index
    %get3A_547 = arith.constant 1 : index
    %get3A_548 = arith.constant 2 : index
    %get3A_549 = arith.constant 1 : index
    %get3A_550 = arith.constant 2 : index
    %get3A_551 = memref.load %arg3[%get3A_546, %get3A_547, %get3A_548, %get3A_549, %get3A_550] : memref<3x3x3x3x3xf32, #tpu.memory_space<smem>>
    %convert_element_type3A_552 = arith.truncf %get3A_551 : f32 to bf16
    %mul3A_553 = vector.broadcast %convert_element_type3A_552 : bf16 to vector<512x512xbf16>
    %mul3A_554 = arith.mulf %squeeze3A_545, %mul3A_553 : vector<512x512xbf16>
    %add3A_555 = arith.addf %mul3A_466, %mul3A_477 : vector<512x512xbf16>
    %add3A_556 = arith.addf %mul3A_488, %mul3A_499 : vector<512x512xbf16>
    %add3A_557 = arith.addf %mul3A_510, %mul3A_521 : vector<512x512xbf16>
    %add3A_558 = arith.addf %mul3A_532, %mul3A_543 : vector<512x512xbf16>
    %add3A_559 = arith.addf %add3A_555, %add3A_556 : vector<512x512xbf16>
    %add3A_560 = arith.addf %add3A_557, %add3A_558 : vector<512x512xbf16>
    %add3A_561 = arith.addf %add3A_559, %add3A_560 : vector<512x512xbf16>
    %add3A_562 = arith.addf %add3A_561, %mul3A_554 : vector<512x512xbf16>
    %slice3A_563 = vector.extract_strided_slice %concatenate3A {offsets = [0, 0, 0], sizes = [1, 512, 512], strides = [1, 1, 1]} : vector<3x512x512xbf16> to vector<1x512x512xbf16>
    %squeeze3A_564 = vector.shape_cast %slice3A_563 : vector<1x512x512xbf16> to vector<512x512xbf16>
    %get3A_565 = arith.index_cast %get3A_0 : i32 to index
    %get3A_566 = arith.constant 1 : index
    %get3A_567 = arith.constant 0 : index
    %get3A_568 = arith.constant 2 : index
    %get3A_569 = arith.constant 0 : index
    %get3A_570 = memref.load %arg3[%get3A_565, %get3A_566, %get3A_567, %get3A_568, %get3A_569] : memref<3x3x3x3x3xf32, #tpu.memory_space<smem>>
    %convert_element_type3A_571 = arith.truncf %get3A_570 : f32 to bf16
    %mul3A_572 = vector.broadcast %convert_element_type3A_571 : bf16 to vector<512x512xbf16>
    %mul3A_573 = arith.mulf %squeeze3A_564, %mul3A_572 : vector<512x512xbf16>
    %slice3A_574 = vector.extract_strided_slice %convert_element_type3A {offsets = [0, 0, 0], sizes = [1, 512, 512], strides = [1, 1, 1]} : vector<3x512x512xbf16> to vector<1x512x512xbf16>
    %squeeze3A_575 = vector.shape_cast %slice3A_574 : vector<1x512x512xbf16> to vector<512x512xbf16>
    %get3A_576 = arith.index_cast %get3A_0 : i32 to index
    %get3A_577 = arith.constant 1 : index
    %get3A_578 = arith.constant 0 : index
    %get3A_579 = arith.constant 2 : index
    %get3A_580 = arith.constant 1 : index
    %get3A_581 = memref.load %arg3[%get3A_576, %get3A_577, %get3A_578, %get3A_579, %get3A_580] : memref<3x3x3x3x3xf32, #tpu.memory_space<smem>>
    %convert_element_type3A_582 = arith.truncf %get3A_581 : f32 to bf16
    %mul3A_583 = vector.broadcast %convert_element_type3A_582 : bf16 to vector<512x512xbf16>
    %mul3A_584 = arith.mulf %squeeze3A_575, %mul3A_583 : vector<512x512xbf16>
    %slice3A_585 = vector.extract_strided_slice %concatenate3A_11 {offsets = [0, 0, 0], sizes = [1, 512, 512], strides = [1, 1, 1]} : vector<3x512x512xbf16> to vector<1x512x512xbf16>
    %squeeze3A_586 = vector.shape_cast %slice3A_585 : vector<1x512x512xbf16> to vector<512x512xbf16>
    %get3A_587 = arith.index_cast %get3A_0 : i32 to index
    %get3A_588 = arith.constant 1 : index
    %get3A_589 = arith.constant 0 : index
    %get3A_590 = arith.constant 2 : index
    %get3A_591 = arith.constant 2 : index
    %get3A_592 = memref.load %arg3[%get3A_587, %get3A_588, %get3A_589, %get3A_590, %get3A_591] : memref<3x3x3x3x3xf32, #tpu.memory_space<smem>>
    %convert_element_type3A_593 = arith.truncf %get3A_592 : f32 to bf16
    %mul3A_594 = vector.broadcast %convert_element_type3A_593 : bf16 to vector<512x512xbf16>
    %mul3A_595 = arith.mulf %squeeze3A_586, %mul3A_594 : vector<512x512xbf16>
    %slice3A_596 = vector.extract_strided_slice %concatenate3A {offsets = [1, 0, 0], sizes = [1, 512, 512], strides = [1, 1, 1]} : vector<3x512x512xbf16> to vector<1x512x512xbf16>
    %squeeze3A_597 = vector.shape_cast %slice3A_596 : vector<1x512x512xbf16> to vector<512x512xbf16>
    %get3A_598 = arith.index_cast %get3A_0 : i32 to index
    %get3A_599 = arith.constant 1 : index
    %get3A_600 = arith.constant 1 : index
    %get3A_601 = arith.constant 2 : index
    %get3A_602 = arith.constant 0 : index
    %get3A_603 = memref.load %arg3[%get3A_598, %get3A_599, %get3A_600, %get3A_601, %get3A_602] : memref<3x3x3x3x3xf32, #tpu.memory_space<smem>>
    %convert_element_type3A_604 = arith.truncf %get3A_603 : f32 to bf16
    %mul3A_605 = vector.broadcast %convert_element_type3A_604 : bf16 to vector<512x512xbf16>
    %mul3A_606 = arith.mulf %squeeze3A_597, %mul3A_605 : vector<512x512xbf16>
    %slice3A_607 = vector.extract_strided_slice %convert_element_type3A {offsets = [1, 0, 0], sizes = [1, 512, 512], strides = [1, 1, 1]} : vector<3x512x512xbf16> to vector<1x512x512xbf16>
    %squeeze3A_608 = vector.shape_cast %slice3A_607 : vector<1x512x512xbf16> to vector<512x512xbf16>
    %get3A_609 = arith.index_cast %get3A_0 : i32 to index
    %get3A_610 = arith.constant 1 : index
    %get3A_611 = arith.constant 1 : index
    %get3A_612 = arith.constant 2 : index
    %get3A_613 = arith.constant 1 : index
    %get3A_614 = memref.load %arg3[%get3A_609, %get3A_610, %get3A_611, %get3A_612, %get3A_613] : memref<3x3x3x3x3xf32, #tpu.memory_space<smem>>
    %convert_element_type3A_615 = arith.truncf %get3A_614 : f32 to bf16
    %mul3A_616 = vector.broadcast %convert_element_type3A_615 : bf16 to vector<512x512xbf16>
    %mul3A_617 = arith.mulf %squeeze3A_608, %mul3A_616 : vector<512x512xbf16>
    %slice3A_618 = vector.extract_strided_slice %concatenate3A_11 {offsets = [1, 0, 0], sizes = [1, 512, 512], strides = [1, 1, 1]} : vector<3x512x512xbf16> to vector<1x512x512xbf16>
    %squeeze3A_619 = vector.shape_cast %slice3A_618 : vector<1x512x512xbf16> to vector<512x512xbf16>
    %get3A_620 = arith.index_cast %get3A_0 : i32 to index
    %get3A_621 = arith.constant 1 : index
    %get3A_622 = arith.constant 1 : index
    %get3A_623 = arith.constant 2 : index
    %get3A_624 = arith.constant 2 : index
    %get3A_625 = memref.load %arg3[%get3A_620, %get3A_621, %get3A_622, %get3A_623, %get3A_624] : memref<3x3x3x3x3xf32, #tpu.memory_space<smem>>
    %convert_element_type3A_626 = arith.truncf %get3A_625 : f32 to bf16
    %mul3A_627 = vector.broadcast %convert_element_type3A_626 : bf16 to vector<512x512xbf16>
    %mul3A_628 = arith.mulf %squeeze3A_619, %mul3A_627 : vector<512x512xbf16>
    %slice3A_629 = vector.extract_strided_slice %concatenate3A {offsets = [2, 0, 0], sizes = [1, 512, 512], strides = [1, 1, 1]} : vector<3x512x512xbf16> to vector<1x512x512xbf16>
    %squeeze3A_630 = vector.shape_cast %slice3A_629 : vector<1x512x512xbf16> to vector<512x512xbf16>
    %get3A_631 = arith.index_cast %get3A_0 : i32 to index
    %get3A_632 = arith.constant 1 : index
    %get3A_633 = arith.constant 2 : index
    %get3A_634 = arith.constant 2 : index
    %get3A_635 = arith.constant 0 : index
    %get3A_636 = memref.load %arg3[%get3A_631, %get3A_632, %get3A_633, %get3A_634, %get3A_635] : memref<3x3x3x3x3xf32, #tpu.memory_space<smem>>
    %convert_element_type3A_637 = arith.truncf %get3A_636 : f32 to bf16
    %mul3A_638 = vector.broadcast %convert_element_type3A_637 : bf16 to vector<512x512xbf16>
    %mul3A_639 = arith.mulf %squeeze3A_630, %mul3A_638 : vector<512x512xbf16>
    %slice3A_640 = vector.extract_strided_slice %convert_element_type3A {offsets = [2, 0, 0], sizes = [1, 512, 512], strides = [1, 1, 1]} : vector<3x512x512xbf16> to vector<1x512x512xbf16>
    %squeeze3A_641 = vector.shape_cast %slice3A_640 : vector<1x512x512xbf16> to vector<512x512xbf16>
    %get3A_642 = arith.index_cast %get3A_0 : i32 to index
    %get3A_643 = arith.constant 1 : index
    %get3A_644 = arith.constant 2 : index
    %get3A_645 = arith.constant 2 : index
    %get3A_646 = arith.constant 1 : index
    %get3A_647 = memref.load %arg3[%get3A_642, %get3A_643, %get3A_644, %get3A_645, %get3A_646] : memref<3x3x3x3x3xf32, #tpu.memory_space<smem>>
    %convert_element_type3A_648 = arith.truncf %get3A_647 : f32 to bf16
    %mul3A_649 = vector.broadcast %convert_element_type3A_648 : bf16 to vector<512x512xbf16>
    %mul3A_650 = arith.mulf %squeeze3A_641, %mul3A_649 : vector<512x512xbf16>
    %slice3A_651 = vector.extract_strided_slice %concatenate3A_11 {offsets = [2, 0, 0], sizes = [1, 512, 512], strides = [1, 1, 1]} : vector<3x512x512xbf16> to vector<1x512x512xbf16>
    %squeeze3A_652 = vector.shape_cast %slice3A_651 : vector<1x512x512xbf16> to vector<512x512xbf16>
    %get3A_653 = arith.index_cast %get3A_0 : i32 to index
    %get3A_654 = arith.constant 1 : index
    %get3A_655 = arith.constant 2 : index
    %get3A_656 = arith.constant 2 : index
    %get3A_657 = arith.constant 2 : index
    %get3A_658 = memref.load %arg3[%get3A_653, %get3A_654, %get3A_655, %get3A_656, %get3A_657] : memref<3x3x3x3x3xf32, #tpu.memory_space<smem>>
    %convert_element_type3A_659 = arith.truncf %get3A_658 : f32 to bf16
    %mul3A_660 = vector.broadcast %convert_element_type3A_659 : bf16 to vector<512x512xbf16>
    %mul3A_661 = arith.mulf %squeeze3A_652, %mul3A_660 : vector<512x512xbf16>
    %add3A_662 = arith.addf %mul3A_573, %mul3A_584 : vector<512x512xbf16>
    %add3A_663 = arith.addf %mul3A_595, %mul3A_606 : vector<512x512xbf16>
    %add3A_664 = arith.addf %mul3A_617, %mul3A_628 : vector<512x512xbf16>
    %add3A_665 = arith.addf %mul3A_639, %mul3A_650 : vector<512x512xbf16>
    %add3A_666 = arith.addf %add3A_662, %add3A_663 : vector<512x512xbf16>
    %add3A_667 = arith.addf %add3A_664, %add3A_665 : vector<512x512xbf16>
    %add3A_668 = arith.addf %add3A_666, %add3A_667 : vector<512x512xbf16>
    %add3A_669 = arith.addf %add3A_668, %mul3A_661 : vector<512x512xbf16>
    %slice3A_670 = vector.extract_strided_slice %add3A_455 {offsets = [0, 0], sizes = [511, 512], strides = [1, 1]} : vector<512x512xbf16> to vector<511x512xbf16>
    %concatenate3A_671 = tpu.concatenate %broadcast_in_dim3A_9, %slice3A_670 in 0 : vector<1x512xbf16>, vector<511x512xbf16> -> vector<512x512xbf16>
    %slice3A_672 = vector.extract_strided_slice %add3A_669 {offsets = [1, 0], sizes = [511, 512], strides = [1, 1]} : vector<512x512xbf16> to vector<511x512xbf16>
    %concatenate3A_673 = tpu.concatenate %slice3A_672, %broadcast_in_dim3A_9 in 0 : vector<511x512xbf16>, vector<1x512xbf16> -> vector<512x512xbf16>
    %add3A_674 = arith.addf %concatenate3A_671, %add3A_562 : vector<512x512xbf16>
    %get3A_675 = arith.index_cast %get3A_0 : i32 to index
    %get3A_676 = arith.constant 1 : index
    %get3A_677 = memref.load %arg4[%get3A_675, %get3A_676] : memref<3x3xf32, #tpu.memory_space<smem>>
    %convert_element_type3A_678 = arith.truncf %get3A_677 : f32 to bf16
    %add3A_679 = vector.broadcast %convert_element_type3A_678 : bf16 to vector<512x512xbf16>
    %add3A_680 = arith.addf %concatenate3A_673, %add3A_679 : vector<512x512xbf16>
    %add3A_681 = arith.addf %add3A_674, %add3A_680 : vector<512x512xbf16>
    %convert_element_type3A_682 = arith.extf %add3A_681 : vector<512x512xbf16> to vector<512x512xf32>
    %swap3A_683 = arith.constant 0 : index
    %swap3A_684 = arith.constant 1 : index
    %swap3A_685 = arith.constant 0 : index
    %swap3A_686 = arith.constant 0 : index
    %swap3A_687 = vector.load %arg5[%swap3A_683, %swap3A_684, %swap3A_685, %swap3A_686] : memref<1x3x512x512xf32, #tpu.memory_space<vmem>>, vector<1x1x512x512xf32>
    %swap3A_688 = vector.shape_cast %swap3A_687 : vector<1x1x512x512xf32> to vector<512x512xf32>
    %swap3A_689 = vector.shape_cast %convert_element_type3A_682 : vector<512x512xf32> to vector<1x1x512x512xf32>
    tpu.vector_store %arg5[%swap3A_683, %swap3A_684, %swap3A_685, %swap3A_686], %swap3A_689 {strides = array<i32>} : memref<1x3x512x512xf32, #tpu.memory_space<vmem>>, vector<1x1x512x512xf32>,
    %slice3A_690 = vector.extract_strided_slice %concatenate3A {offsets = [0, 0, 0], sizes = [1, 512, 512], strides = [1, 1, 1]} : vector<3x512x512xbf16> to vector<1x512x512xbf16>
    %squeeze3A_691 = vector.shape_cast %slice3A_690 : vector<1x512x512xbf16> to vector<512x512xbf16>
    %get3A_692 = arith.index_cast %get3A_0 : i32 to index
    %get3A_693 = arith.constant 2 : index
    %get3A_694 = arith.constant 0 : index
    %get3A_695 = arith.constant 0 : index
    %get3A_696 = arith.constant 0 : index
    %get3A_697 = memref.load %arg3[%get3A_692, %get3A_693, %get3A_694, %get3A_695, %get3A_696] : memref<3x3x3x3x3xf32, #tpu.memory_space<smem>>
    %convert_element_type3A_698 = arith.truncf %get3A_697 : f32 to bf16
    %mul3A_699 = vector.broadcast %convert_element_type3A_698 : bf16 to vector<512x512xbf16>
    %mul3A_700 = arith.mulf %squeeze3A_691, %mul3A_699 : vector<512x512xbf16>
    %slice3A_701 = vector.extract_strided_slice %convert_element_type3A {offsets = [0, 0, 0], sizes = [1, 512, 512], strides = [1, 1, 1]} : vector<3x512x512xbf16> to vector<1x512x512xbf16>
    %squeeze3A_702 = vector.shape_cast %slice3A_701 : vector<1x512x512xbf16> to vector<512x512xbf16>
    %get3A_703 = arith.index_cast %get3A_0 : i32 to index
    %get3A_704 = arith.constant 2 : index
    %get3A_705 = arith.constant 0 : index
    %get3A_706 = arith.constant 0 : index
    %get3A_707 = arith.constant 1 : index
    %get3A_708 = memref.load %arg3[%get3A_703, %get3A_704, %get3A_705, %get3A_706, %get3A_707] : memref<3x3x3x3x3xf32, #tpu.memory_space<smem>>
    %convert_element_type3A_709 = arith.truncf %get3A_708 : f32 to bf16
    %mul3A_710 = vector.broadcast %convert_element_type3A_709 : bf16 to vector<512x512xbf16>
    %mul3A_711 = arith.mulf %squeeze3A_702, %mul3A_710 : vector<512x512xbf16>
    %slice3A_712 = vector.extract_strided_slice %concatenate3A_11 {offsets = [0, 0, 0], sizes = [1, 512, 512], strides = [1, 1, 1]} : vector<3x512x512xbf16> to vector<1x512x512xbf16>
    %squeeze3A_713 = vector.shape_cast %slice3A_712 : vector<1x512x512xbf16> to vector<512x512xbf16>
    %get3A_714 = arith.index_cast %get3A_0 : i32 to index
    %get3A_715 = arith.constant 2 : index
    %get3A_716 = arith.constant 0 : index
    %get3A_717 = arith.constant 0 : index
    %get3A_718 = arith.constant 2 : index
    %get3A_719 = memref.load %arg3[%get3A_714, %get3A_715, %get3A_716, %get3A_717, %get3A_718] : memref<3x3x3x3x3xf32, #tpu.memory_space<smem>>
    %convert_element_type3A_720 = arith.truncf %get3A_719 : f32 to bf16
    %mul3A_721 = vector.broadcast %convert_element_type3A_720 : bf16 to vector<512x512xbf16>
    %mul3A_722 = arith.mulf %squeeze3A_713, %mul3A_721 : vector<512x512xbf16>
    %slice3A_723 = vector.extract_strided_slice %concatenate3A {offsets = [1, 0, 0], sizes = [1, 512, 512], strides = [1, 1, 1]} : vector<3x512x512xbf16> to vector<1x512x512xbf16>
    %squeeze3A_724 = vector.shape_cast %slice3A_723 : vector<1x512x512xbf16> to vector<512x512xbf16>
    %get3A_725 = arith.index_cast %get3A_0 : i32 to index
    %get3A_726 = arith.constant 2 : index
    %get3A_727 = arith.constant 1 : index
    %get3A_728 = arith.constant 0 : index
    %get3A_729 = arith.constant 0 : index
    %get3A_730 = memref.load %arg3[%get3A_725, %get3A_726, %get3A_727, %get3A_728, %get3A_729] : memref<3x3x3x3x3xf32, #tpu.memory_space<smem>>
    %convert_element_type3A_731 = arith.truncf %get3A_730 : f32 to bf16
    %mul3A_732 = vector.broadcast %convert_element_type3A_731 : bf16 to vector<512x512xbf16>
    %mul3A_733 = arith.mulf %squeeze3A_724, %mul3A_732 : vector<512x512xbf16>
    %slice3A_734 = vector.extract_strided_slice %convert_element_type3A {offsets = [1, 0, 0], sizes = [1, 512, 512], strides = [1, 1, 1]} : vector<3x512x512xbf16> to vector<1x512x512xbf16>
    %squeeze3A_735 = vector.shape_cast %slice3A_734 : vector<1x512x512xbf16> to vector<512x512xbf16>
    %get3A_736 = arith.index_cast %get3A_0 : i32 to index
    %get3A_737 = arith.constant 2 : index
    %get3A_738 = arith.constant 1 : index
    %get3A_739 = arith.constant 0 : index
    %get3A_740 = arith.constant 1 : index
    %get3A_741 = memref.load %arg3[%get3A_736, %get3A_737, %get3A_738, %get3A_739, %get3A_740] : memref<3x3x3x3x3xf32, #tpu.memory_space<smem>>
    %convert_element_type3A_742 = arith.truncf %get3A_741 : f32 to bf16
    %mul3A_743 = vector.broadcast %convert_element_type3A_742 : bf16 to vector<512x512xbf16>
    %mul3A_744 = arith.mulf %squeeze3A_735, %mul3A_743 : vector<512x512xbf16>
    %slice3A_745 = vector.extract_strided_slice %concatenate3A_11 {offsets = [1, 0, 0], sizes = [1, 512, 512], strides = [1, 1, 1]} : vector<3x512x512xbf16> to vector<1x512x512xbf16>
    %squeeze3A_746 = vector.shape_cast %slice3A_745 : vector<1x512x512xbf16> to vector<512x512xbf16>
    %get3A_747 = arith.index_cast %get3A_0 : i32 to index
    %get3A_748 = arith.constant 2 : index
    %get3A_749 = arith.constant 1 : index
    %get3A_750 = arith.constant 0 : index
    %get3A_751 = arith.constant 2 : index
    %get3A_752 = memref.load %arg3[%get3A_747, %get3A_748, %get3A_749, %get3A_750, %get3A_751] : memref<3x3x3x3x3xf32, #tpu.memory_space<smem>>
    %convert_element_type3A_753 = arith.truncf %get3A_752 : f32 to bf16
    %mul3A_754 = vector.broadcast %convert_element_type3A_753 : bf16 to vector<512x512xbf16>
    %mul3A_755 = arith.mulf %squeeze3A_746, %mul3A_754 : vector<512x512xbf16>
    %slice3A_756 = vector.extract_strided_slice %concatenate3A {offsets = [2, 0, 0], sizes = [1, 512, 512], strides = [1, 1, 1]} : vector<3x512x512xbf16> to vector<1x512x512xbf16>
    %squeeze3A_757 = vector.shape_cast %slice3A_756 : vector<1x512x512xbf16> to vector<512x512xbf16>
    %get3A_758 = arith.index_cast %get3A_0 : i32 to index
    %get3A_759 = arith.constant 2 : index
    %get3A_760 = arith.constant 2 : index
    %get3A_761 = arith.constant 0 : index
    %get3A_762 = arith.constant 0 : index
    %get3A_763 = memref.load %arg3[%get3A_758, %get3A_759, %get3A_760, %get3A_761, %get3A_762] : memref<3x3x3x3x3xf32, #tpu.memory_space<smem>>
    %convert_element_type3A_764 = arith.truncf %get3A_763 : f32 to bf16
    %mul3A_765 = vector.broadcast %convert_element_type3A_764 : bf16 to vector<512x512xbf16>
    %mul3A_766 = arith.mulf %squeeze3A_757, %mul3A_765 : vector<512x512xbf16>
    %slice3A_767 = vector.extract_strided_slice %convert_element_type3A {offsets = [2, 0, 0], sizes = [1, 512, 512], strides = [1, 1, 1]} : vector<3x512x512xbf16> to vector<1x512x512xbf16>
    %squeeze3A_768 = vector.shape_cast %slice3A_767 : vector<1x512x512xbf16> to vector<512x512xbf16>
    %get3A_769 = arith.index_cast %get3A_0 : i32 to index
    %get3A_770 = arith.constant 2 : index
    %get3A_771 = arith.constant 2 : index
    %get3A_772 = arith.constant 0 : index
    %get3A_773 = arith.constant 1 : index
    %get3A_774 = memref.load %arg3[%get3A_769, %get3A_770, %get3A_771, %get3A_772, %get3A_773] : memref<3x3x3x3x3xf32, #tpu.memory_space<smem>>
    %convert_element_type3A_775 = arith.truncf %get3A_774 : f32 to bf16
    %mul3A_776 = vector.broadcast %convert_element_type3A_775 : bf16 to vector<512x512xbf16>
    %mul3A_777 = arith.mulf %squeeze3A_768, %mul3A_776 : vector<512x512xbf16>
    %slice3A_778 = vector.extract_strided_slice %concatenate3A_11 {offsets = [2, 0, 0], sizes = [1, 512, 512], strides = [1, 1, 1]} : vector<3x512x512xbf16> to vector<1x512x512xbf16>
    %squeeze3A_779 = vector.shape_cast %slice3A_778 : vector<1x512x512xbf16> to vector<512x512xbf16>
    %get3A_780 = arith.index_cast %get3A_0 : i32 to index
    %get3A_781 = arith.constant 2 : index
    %get3A_782 = arith.constant 2 : index
    %get3A_783 = arith.constant 0 : index
    %get3A_784 = arith.constant 2 : index
    %get3A_785 = memref.load %arg3[%get3A_780, %get3A_781, %get3A_782, %get3A_783, %get3A_784] : memref<3x3x3x3x3xf32, #tpu.memory_space<smem>>
    %convert_element_type3A_786 = arith.truncf %get3A_785 : f32 to bf16
    %mul3A_787 = vector.broadcast %convert_element_type3A_786 : bf16 to vector<512x512xbf16>
    %mul3A_788 = arith.mulf %squeeze3A_779, %mul3A_787 : vector<512x512xbf16>
    %add3A_789 = arith.addf %mul3A_700, %mul3A_711 : vector<512x512xbf16>
    %add3A_790 = arith.addf %mul3A_722, %mul3A_733 : vector<512x512xbf16>
    %add3A_791 = arith.addf %mul3A_744, %mul3A_755 : vector<512x512xbf16>
    %add3A_792 = arith.addf %mul3A_766, %mul3A_777 : vector<512x512xbf16>
    %add3A_793 = arith.addf %add3A_789, %add3A_790 : vector<512x512xbf16>
    %add3A_794 = arith.addf %add3A_791, %add3A_792 : vector<512x512xbf16>
    %add3A_795 = arith.addf %add3A_793, %add3A_794 : vector<512x512xbf16>
    %add3A_796 = arith.addf %add3A_795, %mul3A_788 : vector<512x512xbf16>
    %slice3A_797 = vector.extract_strided_slice %concatenate3A {offsets = [0, 0, 0], sizes = [1, 512, 512], strides = [1, 1, 1]} : vector<3x512x512xbf16> to vector<1x512x512xbf16>
    %squeeze3A_798 = vector.shape_cast %slice3A_797 : vector<1x512x512xbf16> to vector<512x512xbf16>
    %get3A_799 = arith.index_cast %get3A_0 : i32 to index
    %get3A_800 = arith.constant 2 : index
    %get3A_801 = arith.constant 0 : index
    %get3A_802 = arith.constant 1 : index
    %get3A_803 = arith.constant 0 : index
    %get3A_804 = memref.load %arg3[%get3A_799, %get3A_800, %get3A_801, %get3A_802, %get3A_803] : memref<3x3x3x3x3xf32, #tpu.memory_space<smem>>
    %convert_element_type3A_805 = arith.truncf %get3A_804 : f32 to bf16
    %mul3A_806 = vector.broadcast %convert_element_type3A_805 : bf16 to vector<512x512xbf16>
    %mul3A_807 = arith.mulf %squeeze3A_798, %mul3A_806 : vector<512x512xbf16>
    %slice3A_808 = vector.extract_strided_slice %convert_element_type3A {offsets = [0, 0, 0], sizes = [1, 512, 512], strides = [1, 1, 1]} : vector<3x512x512xbf16> to vector<1x512x512xbf16>
    %squeeze3A_809 = vector.shape_cast %slice3A_808 : vector<1x512x512xbf16> to vector<512x512xbf16>
    %get3A_810 = arith.index_cast %get3A_0 : i32 to index
    %get3A_811 = arith.constant 2 : index
    %get3A_812 = arith.constant 0 : index
    %get3A_813 = arith.constant 1 : index
    %get3A_814 = arith.constant 1 : index
    %get3A_815 = memref.load %arg3[%get3A_810, %get3A_811, %get3A_812, %get3A_813, %get3A_814] : memref<3x3x3x3x3xf32, #tpu.memory_space<smem>>
    %convert_element_type3A_816 = arith.truncf %get3A_815 : f32 to bf16
    %mul3A_817 = vector.broadcast %convert_element_type3A_816 : bf16 to vector<512x512xbf16>
    %mul3A_818 = arith.mulf %squeeze3A_809, %mul3A_817 : vector<512x512xbf16>
    %slice3A_819 = vector.extract_strided_slice %concatenate3A_11 {offsets = [0, 0, 0], sizes = [1, 512, 512], strides = [1, 1, 1]} : vector<3x512x512xbf16> to vector<1x512x512xbf16>
    %squeeze3A_820 = vector.shape_cast %slice3A_819 : vector<1x512x512xbf16> to vector<512x512xbf16>
    %get3A_821 = arith.index_cast %get3A_0 : i32 to index
    %get3A_822 = arith.constant 2 : index
    %get3A_823 = arith.constant 0 : index
    %get3A_824 = arith.constant 1 : index
    %get3A_825 = arith.constant 2 : index
    %get3A_826 = memref.load %arg3[%get3A_821, %get3A_822, %get3A_823, %get3A_824, %get3A_825] : memref<3x3x3x3x3xf32, #tpu.memory_space<smem>>
    %convert_element_type3A_827 = arith.truncf %get3A_826 : f32 to bf16
    %mul3A_828 = vector.broadcast %convert_element_type3A_827 : bf16 to vector<512x512xbf16>
    %mul3A_829 = arith.mulf %squeeze3A_820, %mul3A_828 : vector<512x512xbf16>
    %slice3A_830 = vector.extract_strided_slice %concatenate3A {offsets = [1, 0, 0], sizes = [1, 512, 512], strides = [1, 1, 1]} : vector<3x512x512xbf16> to vector<1x512x512xbf16>
    %squeeze3A_831 = vector.shape_cast %slice3A_830 : vector<1x512x512xbf16> to vector<512x512xbf16>
    %get3A_832 = arith.index_cast %get3A_0 : i32 to index
    %get3A_833 = arith.constant 2 : index
    %get3A_834 = arith.constant 1 : index
    %get3A_835 = arith.constant 1 : index
    %get3A_836 = arith.constant 0 : index
    %get3A_837 = memref.load %arg3[%get3A_832, %get3A_833, %get3A_834, %get3A_835, %get3A_836] : memref<3x3x3x3x3xf32, #tpu.memory_space<smem>>
    %convert_element_type3A_838 = arith.truncf %get3A_837 : f32 to bf16
    %mul3A_839 = vector.broadcast %convert_element_type3A_838 : bf16 to vector<512x512xbf16>
    %mul3A_840 = arith.mulf %squeeze3A_831, %mul3A_839 : vector<512x512xbf16>
    %slice3A_841 = vector.extract_strided_slice %convert_element_type3A {offsets = [1, 0, 0], sizes = [1, 512, 512], strides = [1, 1, 1]} : vector<3x512x512xbf16> to vector<1x512x512xbf16>
    %squeeze3A_842 = vector.shape_cast %slice3A_841 : vector<1x512x512xbf16> to vector<512x512xbf16>
    %get3A_843 = arith.index_cast %get3A_0 : i32 to index
    %get3A_844 = arith.constant 2 : index
    %get3A_845 = arith.constant 1 : index
    %get3A_846 = arith.constant 1 : index
    %get3A_847 = arith.constant 1 : index
    %get3A_848 = memref.load %arg3[%get3A_843, %get3A_844, %get3A_845, %get3A_846, %get3A_847] : memref<3x3x3x3x3xf32, #tpu.memory_space<smem>>
    %convert_element_type3A_849 = arith.truncf %get3A_848 : f32 to bf16
    %mul3A_850 = vector.broadcast %convert_element_type3A_849 : bf16 to vector<512x512xbf16>
    %mul3A_851 = arith.mulf %squeeze3A_842, %mul3A_850 : vector<512x512xbf16>
    %slice3A_852 = vector.extract_strided_slice %concatenate3A_11 {offsets = [1, 0, 0], sizes = [1, 512, 512], strides = [1, 1, 1]} : vector<3x512x512xbf16> to vector<1x512x512xbf16>
    %squeeze3A_853 = vector.shape_cast %slice3A_852 : vector<1x512x512xbf16> to vector<512x512xbf16>
    %get3A_854 = arith.index_cast %get3A_0 : i32 to index
    %get3A_855 = arith.constant 2 : index
    %get3A_856 = arith.constant 1 : index
    %get3A_857 = arith.constant 1 : index
    %get3A_858 = arith.constant 2 : index
    %get3A_859 = memref.load %arg3[%get3A_854, %get3A_855, %get3A_856, %get3A_857, %get3A_858] : memref<3x3x3x3x3xf32, #tpu.memory_space<smem>>
    %convert_element_type3A_860 = arith.truncf %get3A_859 : f32 to bf16
    %mul3A_861 = vector.broadcast %convert_element_type3A_860 : bf16 to vector<512x512xbf16>
    %mul3A_862 = arith.mulf %squeeze3A_853, %mul3A_861 : vector<512x512xbf16>
    %slice3A_863 = vector.extract_strided_slice %concatenate3A {offsets = [2, 0, 0], sizes = [1, 512, 512], strides = [1, 1, 1]} : vector<3x512x512xbf16> to vector<1x512x512xbf16>
    %squeeze3A_864 = vector.shape_cast %slice3A_863 : vector<1x512x512xbf16> to vector<512x512xbf16>
    %get3A_865 = arith.index_cast %get3A_0 : i32 to index
    %get3A_866 = arith.constant 2 : index
    %get3A_867 = arith.constant 2 : index
    %get3A_868 = arith.constant 1 : index
    %get3A_869 = arith.constant 0 : index
    %get3A_870 = memref.load %arg3[%get3A_865, %get3A_866, %get3A_867, %get3A_868, %get3A_869] : memref<3x3x3x3x3xf32, #tpu.memory_space<smem>>
    %convert_element_type3A_871 = arith.truncf %get3A_870 : f32 to bf16
    %mul3A_872 = vector.broadcast %convert_element_type3A_871 : bf16 to vector<512x512xbf16>
    %mul3A_873 = arith.mulf %squeeze3A_864, %mul3A_872 : vector<512x512xbf16>
    %slice3A_874 = vector.extract_strided_slice %convert_element_type3A {offsets = [2, 0, 0], sizes = [1, 512, 512], strides = [1, 1, 1]} : vector<3x512x512xbf16> to vector<1x512x512xbf16>
    %squeeze3A_875 = vector.shape_cast %slice3A_874 : vector<1x512x512xbf16> to vector<512x512xbf16>
    %get3A_876 = arith.index_cast %get3A_0 : i32 to index
    %get3A_877 = arith.constant 2 : index
    %get3A_878 = arith.constant 2 : index
    %get3A_879 = arith.constant 1 : index
    %get3A_880 = arith.constant 1 : index
    %get3A_881 = memref.load %arg3[%get3A_876, %get3A_877, %get3A_878, %get3A_879, %get3A_880] : memref<3x3x3x3x3xf32, #tpu.memory_space<smem>>
    %convert_element_type3A_882 = arith.truncf %get3A_881 : f32 to bf16
    %mul3A_883 = vector.broadcast %convert_element_type3A_882 : bf16 to vector<512x512xbf16>
    %mul3A_884 = arith.mulf %squeeze3A_875, %mul3A_883 : vector<512x512xbf16>
    %slice3A_885 = vector.extract_strided_slice %concatenate3A_11 {offsets = [2, 0, 0], sizes = [1, 512, 512], strides = [1, 1, 1]} : vector<3x512x512xbf16> to vector<1x512x512xbf16>
    %squeeze3A_886 = vector.shape_cast %slice3A_885 : vector<1x512x512xbf16> to vector<512x512xbf16>
    %get3A_887 = arith.index_cast %get3A_0 : i32 to index
    %get3A_888 = arith.constant 2 : index
    %get3A_889 = arith.constant 2 : index
    %get3A_890 = arith.constant 1 : index
    %get3A_891 = arith.constant 2 : index
    %get3A_892 = memref.load %arg3[%get3A_887, %get3A_888, %get3A_889, %get3A_890, %get3A_891] : memref<3x3x3x3x3xf32, #tpu.memory_space<smem>>
    %convert_element_type3A_893 = arith.truncf %get3A_892 : f32 to bf16
    %mul3A_894 = vector.broadcast %convert_element_type3A_893 : bf16 to vector<512x512xbf16>
    %mul3A_895 = arith.mulf %squeeze3A_886, %mul3A_894 : vector<512x512xbf16>
    %add3A_896 = arith.addf %mul3A_807, %mul3A_818 : vector<512x512xbf16>
    %add3A_897 = arith.addf %mul3A_829, %mul3A_840 : vector<512x512xbf16>
    %add3A_898 = arith.addf %mul3A_851, %mul3A_862 : vector<512x512xbf16>
    %add3A_899 = arith.addf %mul3A_873, %mul3A_884 : vector<512x512xbf16>
    %add3A_900 = arith.addf %add3A_896, %add3A_897 : vector<512x512xbf16>
    %add3A_901 = arith.addf %add3A_898, %add3A_899 : vector<512x512xbf16>
    %add3A_902 = arith.addf %add3A_900, %add3A_901 : vector<512x512xbf16>
    %add3A_903 = arith.addf %add3A_902, %mul3A_895 : vector<512x512xbf16>
    %slice3A_904 = vector.extract_strided_slice %concatenate3A {offsets = [0, 0, 0], sizes = [1, 512, 512], strides = [1, 1, 1]} : vector<3x512x512xbf16> to vector<1x512x512xbf16>
    %squeeze3A_905 = vector.shape_cast %slice3A_904 : vector<1x512x512xbf16> to vector<512x512xbf16>
    %get3A_906 = arith.index_cast %get3A_0 : i32 to index
    %get3A_907 = arith.constant 2 : index
    %get3A_908 = arith.constant 0 : index
    %get3A_909 = arith.constant 2 : index
    %get3A_910 = arith.constant 0 : index
    %get3A_911 = memref.load %arg3[%get3A_906, %get3A_907, %get3A_908, %get3A_909, %get3A_910] : memref<3x3x3x3x3xf32, #tpu.memory_space<smem>>
    %convert_element_type3A_912 = arith.truncf %get3A_911 : f32 to bf16
    %mul3A_913 = vector.broadcast %convert_element_type3A_912 : bf16 to vector<512x512xbf16>
    %mul3A_914 = arith.mulf %squeeze3A_905, %mul3A_913 : vector<512x512xbf16>
    %slice3A_915 = vector.extract_strided_slice %convert_element_type3A {offsets = [0, 0, 0], sizes = [1, 512, 512], strides = [1, 1, 1]} : vector<3x512x512xbf16> to vector<1x512x512xbf16>
    %squeeze3A_916 = vector.shape_cast %slice3A_915 : vector<1x512x512xbf16> to vector<512x512xbf16>
    %get3A_917 = arith.index_cast %get3A_0 : i32 to index
    %get3A_918 = arith.constant 2 : index
    %get3A_919 = arith.constant 0 : index
    %get3A_920 = arith.constant 2 : index
    %get3A_921 = arith.constant 1 : index
    %get3A_922 = memref.load %arg3[%get3A_917, %get3A_918, %get3A_919, %get3A_920, %get3A_921] : memref<3x3x3x3x3xf32, #tpu.memory_space<smem>>
    %convert_element_type3A_923 = arith.truncf %get3A_922 : f32 to bf16
    %mul3A_924 = vector.broadcast %convert_element_type3A_923 : bf16 to vector<512x512xbf16>
    %mul3A_925 = arith.mulf %squeeze3A_916, %mul3A_924 : vector<512x512xbf16>
    %slice3A_926 = vector.extract_strided_slice %concatenate3A_11 {offsets = [0, 0, 0], sizes = [1, 512, 512], strides = [1, 1, 1]} : vector<3x512x512xbf16> to vector<1x512x512xbf16>
    %squeeze3A_927 = vector.shape_cast %slice3A_926 : vector<1x512x512xbf16> to vector<512x512xbf16>
    %get3A_928 = arith.index_cast %get3A_0 : i32 to index
    %get3A_929 = arith.constant 2 : index
    %get3A_930 = arith.constant 0 : index
    %get3A_931 = arith.constant 2 : index
    %get3A_932 = arith.constant 2 : index
    %get3A_933 = memref.load %arg3[%get3A_928, %get3A_929, %get3A_930, %get3A_931, %get3A_932] : memref<3x3x3x3x3xf32, #tpu.memory_space<smem>>
    %convert_element_type3A_934 = arith.truncf %get3A_933 : f32 to bf16
    %mul3A_935 = vector.broadcast %convert_element_type3A_934 : bf16 to vector<512x512xbf16>
    %mul3A_936 = arith.mulf %squeeze3A_927, %mul3A_935 : vector<512x512xbf16>
    %slice3A_937 = vector.extract_strided_slice %concatenate3A {offsets = [1, 0, 0], sizes = [1, 512, 512], strides = [1, 1, 1]} : vector<3x512x512xbf16> to vector<1x512x512xbf16>
    %squeeze3A_938 = vector.shape_cast %slice3A_937 : vector<1x512x512xbf16> to vector<512x512xbf16>
    %get3A_939 = arith.index_cast %get3A_0 : i32 to index
    %get3A_940 = arith.constant 2 : index
    %get3A_941 = arith.constant 1 : index
    %get3A_942 = arith.constant 2 : index
    %get3A_943 = arith.constant 0 : index
    %get3A_944 = memref.load %arg3[%get3A_939, %get3A_940, %get3A_941, %get3A_942, %get3A_943] : memref<3x3x3x3x3xf32, #tpu.memory_space<smem>>
    %convert_element_type3A_945 = arith.truncf %get3A_944 : f32 to bf16
    %mul3A_946 = vector.broadcast %convert_element_type3A_945 : bf16 to vector<512x512xbf16>
    %mul3A_947 = arith.mulf %squeeze3A_938, %mul3A_946 : vector<512x512xbf16>
    %slice3A_948 = vector.extract_strided_slice %convert_element_type3A {offsets = [1, 0, 0], sizes = [1, 512, 512], strides = [1, 1, 1]} : vector<3x512x512xbf16> to vector<1x512x512xbf16>
    %squeeze3A_949 = vector.shape_cast %slice3A_948 : vector<1x512x512xbf16> to vector<512x512xbf16>
    %get3A_950 = arith.index_cast %get3A_0 : i32 to index
    %get3A_951 = arith.constant 2 : index
    %get3A_952 = arith.constant 1 : index
    %get3A_953 = arith.constant 2 : index
    %get3A_954 = arith.constant 1 : index
    %get3A_955 = memref.load %arg3[%get3A_950, %get3A_951, %get3A_952, %get3A_953, %get3A_954] : memref<3x3x3x3x3xf32, #tpu.memory_space<smem>>
    %convert_element_type3A_956 = arith.truncf %get3A_955 : f32 to bf16
    %mul3A_957 = vector.broadcast %convert_element_type3A_956 : bf16 to vector<512x512xbf16>
    %mul3A_958 = arith.mulf %squeeze3A_949, %mul3A_957 : vector<512x512xbf16>
    %slice3A_959 = vector.extract_strided_slice %concatenate3A_11 {offsets = [1, 0, 0], sizes = [1, 512, 512], strides = [1, 1, 1]} : vector<3x512x512xbf16> to vector<1x512x512xbf16>
    %squeeze3A_960 = vector.shape_cast %slice3A_959 : vector<1x512x512xbf16> to vector<512x512xbf16>
    %get3A_961 = arith.index_cast %get3A_0 : i32 to index
    %get3A_962 = arith.constant 2 : index
    %get3A_963 = arith.constant 1 : index
    %get3A_964 = arith.constant 2 : index
    %get3A_965 = arith.constant 2 : index
    %get3A_966 = memref.load %arg3[%get3A_961, %get3A_962, %get3A_963, %get3A_964, %get3A_965] : memref<3x3x3x3x3xf32, #tpu.memory_space<smem>>
    %convert_element_type3A_967 = arith.truncf %get3A_966 : f32 to bf16
    %mul3A_968 = vector.broadcast %convert_element_type3A_967 : bf16 to vector<512x512xbf16>
    %mul3A_969 = arith.mulf %squeeze3A_960, %mul3A_968 : vector<512x512xbf16>
    %slice3A_970 = vector.extract_strided_slice %concatenate3A {offsets = [2, 0, 0], sizes = [1, 512, 512], strides = [1, 1, 1]} : vector<3x512x512xbf16> to vector<1x512x512xbf16>
    %squeeze3A_971 = vector.shape_cast %slice3A_970 : vector<1x512x512xbf16> to vector<512x512xbf16>
    %get3A_972 = arith.index_cast %get3A_0 : i32 to index
    %get3A_973 = arith.constant 2 : index
    %get3A_974 = arith.constant 2 : index
    %get3A_975 = arith.constant 2 : index
    %get3A_976 = arith.constant 0 : index
    %get3A_977 = memref.load %arg3[%get3A_972, %get3A_973, %get3A_974, %get3A_975, %get3A_976] : memref<3x3x3x3x3xf32, #tpu.memory_space<smem>>
    %convert_element_type3A_978 = arith.truncf %get3A_977 : f32 to bf16
    %mul3A_979 = vector.broadcast %convert_element_type3A_978 : bf16 to vector<512x512xbf16>
    %mul3A_980 = arith.mulf %squeeze3A_971, %mul3A_979 : vector<512x512xbf16>
    %slice3A_981 = vector.extract_strided_slice %convert_element_type3A {offsets = [2, 0, 0], sizes = [1, 512, 512], strides = [1, 1, 1]} : vector<3x512x512xbf16> to vector<1x512x512xbf16>
    %squeeze3A_982 = vector.shape_cast %slice3A_981 : vector<1x512x512xbf16> to vector<512x512xbf16>
    %get3A_983 = arith.index_cast %get3A_0 : i32 to index
    %get3A_984 = arith.constant 2 : index
    %get3A_985 = arith.constant 2 : index
    %get3A_986 = arith.constant 2 : index
    %get3A_987 = arith.constant 1 : index
    %get3A_988 = memref.load %arg3[%get3A_983, %get3A_984, %get3A_985, %get3A_986, %get3A_987] : memref<3x3x3x3x3xf32, #tpu.memory_space<smem>>
    %convert_element_type3A_989 = arith.truncf %get3A_988 : f32 to bf16
    %mul3A_990 = vector.broadcast %convert_element_type3A_989 : bf16 to vector<512x512xbf16>
    %mul3A_991 = arith.mulf %squeeze3A_982, %mul3A_990 : vector<512x512xbf16>
    %slice3A_992 = vector.extract_strided_slice %concatenate3A_11 {offsets = [2, 0, 0], sizes = [1, 512, 512], strides = [1, 1, 1]} : vector<3x512x512xbf16> to vector<1x512x512xbf16>
    %squeeze3A_993 = vector.shape_cast %slice3A_992 : vector<1x512x512xbf16> to vector<512x512xbf16>
    %get3A_994 = arith.index_cast %get3A_0 : i32 to index
    %get3A_995 = arith.constant 2 : index
    %get3A_996 = arith.constant 2 : index
    %get3A_997 = arith.constant 2 : index
    %get3A_998 = arith.constant 2 : index
    %get3A_999 = memref.load %arg3[%get3A_994, %get3A_995, %get3A_996, %get3A_997, %get3A_998] : memref<3x3x3x3x3xf32, #tpu.memory_space<smem>>
    %convert_element_type3A_1000 = arith.truncf %get3A_999 : f32 to bf16
    %mul3A_1001 = vector.broadcast %convert_element_type3A_1000 : bf16 to vector<512x512xbf16>
    %mul3A_1002 = arith.mulf %squeeze3A_993, %mul3A_1001 : vector<512x512xbf16>
    %add3A_1003 = arith.addf %mul3A_914, %mul3A_925 : vector<512x512xbf16>
    %add3A_1004 = arith.addf %mul3A_936, %mul3A_947 : vector<512x512xbf16>
    %add3A_1005 = arith.addf %mul3A_958, %mul3A_969 : vector<512x512xbf16>
    %add3A_1006 = arith.addf %mul3A_980, %mul3A_991 : vector<512x512xbf16>
    %add3A_1007 = arith.addf %add3A_1003, %add3A_1004 : vector<512x512xbf16>
    %add3A_1008 = arith.addf %add3A_1005, %add3A_1006 : vector<512x512xbf16>
    %add3A_1009 = arith.addf %add3A_1007, %add3A_1008 : vector<512x512xbf16>
    %add3A_1010 = arith.addf %add3A_1009, %mul3A_1002 : vector<512x512xbf16>
    %slice3A_1011 = vector.extract_strided_slice %add3A_796 {offsets = [0, 0], sizes = [511, 512], strides = [1, 1]} : vector<512x512xbf16> to vector<511x512xbf16>
    %concatenate3A_1012 = tpu.concatenate %broadcast_in_dim3A_9, %slice3A_1011 in 0 : vector<1x512xbf16>, vector<511x512xbf16> -> vector<512x512xbf16>
    %slice3A_1013 = vector.extract_strided_slice %add3A_1010 {offsets = [1, 0], sizes = [511, 512], strides = [1, 1]} : vector<512x512xbf16> to vector<511x512xbf16>
    %concatenate3A_1014 = tpu.concatenate %slice3A_1013, %broadcast_in_dim3A_9 in 0 : vector<511x512xbf16>, vector<1x512xbf16> -> vector<512x512xbf16>
    %add3A_1015 = arith.addf %concatenate3A_1012, %add3A_903 : vector<512x512xbf16>
    %get3A_1016 = arith.index_cast %get3A_0 : i32 to index
    %get3A_1017 = arith.constant 2 : index
    %get3A_1018 = memref.load %arg4[%get3A_1016, %get3A_1017] : memref<3x3xf32, #tpu.memory_space<smem>>
    %convert_element_type3A_1019 = arith.truncf %get3A_1018 : f32 to bf16
    %add3A_1020 = vector.broadcast %convert_element_type3A_1019 : bf16 to vector<512x512xbf16>
    %add3A_1021 = arith.addf %concatenate3A_1014, %add3A_1020 : vector<512x512xbf16>
    %add3A_1022 = arith.addf %add3A_1015, %add3A_1021 : vector<512x512xbf16>
    %convert_element_type3A_1023 = arith.extf %add3A_1022 : vector<512x512xbf16> to vector<512x512xf32>
    %swap3A_1024 = arith.constant 0 : index
    %swap3A_1025 = arith.constant 2 : index
    %swap3A_1026 = arith.constant 0 : index
    %swap3A_1027 = arith.constant 0 : index
    %swap3A_1028 = vector.load %arg5[%swap3A_1024, %swap3A_1025, %swap3A_1026, %swap3A_1027] : memref<1x3x512x512xf32, #tpu.memory_space<vmem>>, vector<1x1x512x512xf32>
    %swap3A_1029 = vector.shape_cast %swap3A_1028 : vector<1x1x512x512xf32> to vector<512x512xf32>
    %swap3A_1030 = vector.shape_cast %convert_element_type3A_1023 : vector<512x512xf32> to vector<1x1x512x512xf32>
    tpu.vector_store %arg5[%swap3A_1024, %swap3A_1025, %swap3A_1026, %swap3A_1027], %swap3A_1030 {strides = array<i32>} : memref<1x3x512x512xf32, #tpu.memory_space<vmem>>, vector<1x1x512x512xf32>,
    return
  }
  func.func @transform_0(%arg0: i32) -> (i32, i32, i32, i32) {
    %c0_i32 = arith.constant 0 : i32
    %c0_i32_0 = arith.constant 0 : i32
    %c0_i32_1 = arith.constant 0 : i32
    %c0_i32_2 = arith.constant 0 : i32
    return %arg0, %c0_i32, %c0_i32_0, %c0_i32_1 : i32, i32, i32, i32
  }
  func.func @transform_1(%arg0: i32) -> i32 {
    %c0_i32 = arith.constant 0 : i32
    %c0_i32_0 = arith.constant 0 : i32
    return %c0_i32 : i32
  }
  func.func @transform_2(%arg0: i32) -> (i32, i32, i32, i32, i32) {
    %c0_i32 = arith.constant 0 : i32
    %c0_i32_0 = arith.constant 0 : i32
    %c0_i32_1 = arith.constant 0 : i32
    %c0_i32_2 = arith.constant 0 : i32
    %c0_i32_3 = arith.constant 0 : i32
    %c0_i32_4 = arith.constant 0 : i32
    return %c0_i32, %c0_i32_0, %c0_i32_1, %c0_i32_2, %c0_i32_3 : i32, i32, i32, i32, i32
  }
  func.func @transform_3(%arg0: i32) -> (i32, i32) {
    %c0_i32 = arith.constant 0 : i32
    %c0_i32_0 = arith.constant 0 : i32
    %c0_i32_1 = arith.constant 0 : i32
    return %c0_i32, %c0_i32_0 : i32, i32
  }
  func.func @transform_4(%arg0: i32) -> (i32, i32, i32, i32) {
    %c0_i32 = arith.constant 0 : i32
    %c0_i32_0 = arith.constant 0 : i32
    %c0_i32_1 = arith.constant 0 : i32
    %c0_i32_2 = arith.constant 0 : i32
    return %arg0, %c0_i32, %c0_i32_0, %c0_i32_1 : i32, i32, i32, i32
  }
}

</mosaic_0001>

<sc_bundles>
// kernel: kernel.4.cloned.1.call-start
scs
__scs_entry_jumppad:
0x0: {  	(pc) =	sbr.rel $0x88, $3  }
0x1: {  	(tag) =	ssettag $0x0;
	lr =	simm.s32 $0x1  }
0x2: {  	[smem:$0x3F99] =	sst lr;
	_ =	strace $0xD0000000  }
0x3: {  	_ = 	snop  }
0x4: {  	_ = 	snop  }
0x5: {  	_ = 	snop  }
0x6: {  	_ = 	snop  }
0x7: {  	_ = 	snop  }
__scs_overlays_trampoline_lowered:
0x8: {  	[smem:$0x3FA8] =	sst s0  }
0x9: {  	[smem:$0x3FA9] =	sst s1  }
0xa: {  	[smem:$0x3FAA] =	sst s2  }
0xb: {  	[smem:$0x3FAB] =	sst s3  }
0xc: {  	[smem:$0x3FAC] =	sst s4  }
0xd: {  	[smem:$0x3FAD] =	sst s5  }
0xe: {  	[smem:$0x3FAE] =	sst s6  }
0xf: {  	[smem:$0x3FAF] =	sst s7  }
0x10: {  	[smem:$0x3FB0] =	sst s8  }
0x11: {  	[smem:$0x3FB1] =	sst s9;
	s0 =	simm.s32 @!p0 $0x0  }
0x12: {  	s1 =	sld [smem:$0x3F97];
	s0 =	simm.s32 @p0 $0x1  }
0x13: {  	[smem:$0x3FB2] =	sst s0;
	s0 =	simm.s32 @!p1 $0x0  }
0x14: {  	s2 =	sld [smem:$0x3F96];
	s0 =	simm.s32 @p1 $0x1  }
0x15: {  	[smem:$0x3FB3] =	sst s0;
	s0 =	simm.s32 @!p2 $0x0  }
0x16: {  	s3 =	sld [smem:$0x3FDB];
	s0 =	simm.s32 @p2 $0x1  }
0x17: {  	s4 =	simm.s32 $0x1BF5;
	[smem:$0x3FB5] =	sst s0  }
0x18: {  	s0 =	sld [smem:$0x3F98];
	_ =	swait.ge [sflag:s4], $0x0  }
0x19: {  	s7 =	sld [smem:$0x3F99]  }
0x1a: {  	s8 =	sadd.s32 $0xFFFFE003, lr  }
0x1b: {  	s9 =	sadd.s32 $0xFFFFFEF7, lr;
	s5 =	simm.s32 $0xFFFFFFFF;
	p2 =	slt.u32 s8, $0xFFFFF086  }
0x1c: {  	p1 =	slt.u32 s9, $0xF7A;
	s5 =	simm.s32 @!p2 $0x0  }
0x1d: {  	s5 =	simm.s32 @p1 $0x1;
	p0 =	seq.s32 s7, s2  }
0x1e: {  	s7 =	smul.u32 @!p0 $0xF7A, s2;
	p2 =	seq.s32 @!p0 s5, $0x0  }
0x1f: {  	s9 =	smul.u32 $0xF7A, s1;
	s8 =	simm.s32 @!p0 $0x1BF5;
	p2 =	por !p2, p0  }
0x20: {  	[sflag:s8] =	ssyncset.s32 @!p0 $0xFFFFF086;
	s6 =	sadd.s32 @!p0 s3, s7;
	s7 =	simm.s32 @!p0 $0x108  }
0x21: {  	s3 =	sadd.s32 s3, s9;
	s6 =	sadd.s32 @!p0 $0x88, s6;
	s7 =	simm.s32 @p2 $0x1082  }
0x22: {  	[simem:s7], [sflag:s8] =	dma.local @!p0 [hbm:s6], $0xF7A  }
0x23: {  	s9 =	sor.u32 $0xD0000000, s2;
	s6 =	simm.s32 $0x108;
	_ =	swait.ge @!p0 [sflag:s8], $0x0  }
0x24: {  	s3 =	sadd.s32 $0x88, s3;
	s6 =	simm.s32 @!p1 $0x1082;
	[sflag:s4] =	ssyncset.s32 $0xFFFFF086  }
0x25: {  	[simem:s6], [sflag:s4] =	dma.local [hbm:s3], $0xF7A  }
0x26: {  	[smem:$0x3F99] =	sst s1;
	(tag) =	ssettag s2;
	_ =	strace s9  }
0x27: {  	s1 =	sld [smem:$0x3FA9]  }
0x28: {  	s2 =	sld [smem:$0x3FAA]  }
0x29: {  	s4 =	sld [smem:$0x3FAC]  }
0x2a: {  	p0 =	seq.s32 s5, $0x0;
	s5 =	sld [smem:$0x3FAD]  }
0x2b: {  	s6 =	sld [smem:$0x3FAE]  }
0x2c: {  	s7 =	sld [smem:$0x3FAF]  }
0x2d: {  	s3 =	simm.s32 $0x108;
	s8 =	sld [smem:$0x3FB0]  }
0x2e: {  	s3 =	simm.s32 @!p0 $0x1082;
	s9 =	sld [smem:$0x3FB1]  }
0x2f: {  	lr =	sadd.s32 s0, s3;
	s0 =	sld [smem:$0x3FA8]  }
0x30: {  	s3 =	sld [smem:$0x3FAB]  }
0x31: {  	[smem:$0x3FB4] =	sst s10  }
0x32: {  	s10 =	sld [smem:$0x3FB2];
	_ =	sdelay $0x3  }
0x33: {  	p0 =	seq.s32 s10, $0x1;
	s10 =	sld [smem:$0x3FB4];
	_ =	sdelay $0x3  }
0x34: {  	[smem:$0x3FB4] =	sst s10  }
0x35: {  	s10 =	sld [smem:$0x3FB3];
	_ =	sdelay $0x3  }
0x36: {  	p1 =	seq.s32 s10, $0x1;
	s10 =	sld [smem:$0x3FB4];
	_ =	sdelay $0x3  }
0x37: {  	[smem:$0x3FB4] =	sst s10  }
0x38: {  	s10 =	sld [smem:$0x3FB5]  }
0x39: {  	_ = 	snop;
	(pc) =	sbr.ind lr, $3  }
0x3a: {  	_ = 	snop  }
0x3b: {  	_ = 	snop  }
0x3c: {  	p2 =	seq.s32 s10, $0x1;
	s10 =	sld [smem:$0x3FB4]  }
0x3d: {  	_ =	shalt  }
0x3e: {  	_ =	shalt  }
0x3f: {  	_ =	shalt  }
0x40: {  	_ =	shalt  }
0x41: {  	_ =	shalt  }
0x42: {  	_ =	shalt  }
0x43: {  	_ =	shalt  }
0x44: {  	_ =	shalt  }
0x45: {  	_ =	shalt  }
0x46: {  	_ =	shalt  }
0x47: {  	_ =	shalt  }
0x48: {  	_ =	shalt  }
0x49: {  	_ =	shalt  }
0x4a: {  	_ =	shalt  }
0x4b: {  	_ =	shalt  }
0x4c: {  	_ =	shalt  }
0x4d: {  	_ =	shalt  }
0x4e: {  	_ =	shalt  }
0x4f: {  	_ =	shalt  }
0x50: {  	_ =	shalt  }
0x51: {  	_ =	shalt  }
0x52: {  	_ =	shalt  }
0x53: {  	_ =	shalt  }
0x54: {  	_ =	shalt  }
0x55: {  	_ =	shalt  }
0x56: {  	_ =	shalt  }
0x57: {  	_ =	shalt  }
0x58: {  	_ =	shalt  }
0x59: {  	_ =	shalt  }
0x5a: {  	_ =	shalt  }
0x5b: {  	_ =	shalt  }
0x5c: {  	_ =	shalt  }
0x5d: {  	_ =	shalt  }
0x5e: {  	_ =	shalt  }
0x5f: {  	_ =	shalt  }
0x60: {  	_ =	shalt  }
0x61: {  	_ =	shalt  }
0x62: {  	_ =	shalt  }
0x63: {  	_ =	shalt  }
0x64: {  	_ =	shalt  }
0x65: {  	_ =	shalt  }
0x66: {  	_ =	shalt  }
0x67: {  	_ =	shalt  }
0x68: {  	_ =	shalt  }
0x69: {  	_ =	shalt  }
0x6a: {  	_ =	shalt  }
0x6b: {  	_ =	shalt  }
0x6c: {  	_ =	shalt  }
0x6d: {  	_ =	shalt  }
0x6e: {  	_ =	shalt  }
0x6f: {  	_ =	shalt  }
0x70: {  	_ =	shalt  }
0x71: {  	_ =	shalt  }
0x72: {  	_ =	shalt  }
0x73: {  	_ =	shalt  }
0x74: {  	_ =	shalt  }
0x75: {  	_ =	shalt  }
0x76: {  	_ =	shalt  }
0x77: {  	_ =	shalt  }
0x78: {  	_ =	shalt  }
0x79: {  	_ =	shalt  }
0x7a: {  	_ =	shalt  }
0x7b: {  	_ =	shalt  }
0x7c: {  	_ =	shalt  }
0x7d: {  	_ =	shalt  }
0x7e: {  	_ =	shalt  }
0x7f: {  	_ =	shalt  }
0x80: {  	_ =	shalt  }
0x81: {  	_ =	shalt  }
0x82: {  	_ =	shalt  }
0x83: {  	_ =	shalt  }
0x84: {  	_ =	shalt  }
0x85: {  	_ =	shalt  }
0x86: {  	_ =	shalt  }
0x87: {  	_ =	shalt  }
.Lfunc_end0:
.L_simem_size_0:
called_computation_lowered:
.L_overlay_start_0:
0x88: {  	s2 =	sld [smem:$0x3FD9]  }
0x89: {  	s3 =	sld [smem:$0x3FFE];
	_ =	sdelay $0x1  }
0x8a: {  	s1 =	srdreg.scid  }
0x8b: {  	s0 =	sand.u32 $0x1, s1  }
0x8c: {  	s15 =	sshll.u32 s0, $0xA;
	s2 =	sadd.s32 s3, s2  }
0x8d: {  	s2 =	sadd.s32 s2, s15  }
0x8e: {  	[smem:$0x3FC0] =	sst s2  }
0x8f: {  	_ = 	snop  }
0x90: {  	s2 =	sld [smem:$0x3FD0];
	_ =	sdelay $0x2  }
0x91: {  	s4 =	simm.s32 $0xA;
	s5 =	simm.s32 $0x10;
	s16 =	sld [smem:$0x3FC8]  }
0x92: {  	[smem:s5], [sflag:s4] =	dma.local [hbm:s2], $0x1  }
0x93: {  	_ =	swait.eq [sflag:s4], $0x1  }
0x94: {  	[sflag:s4] =	ssyncset.done $0x0  }
0x95: {  	[sflag:s4] =	ssyncadd.s32 $0xFFFFFFFF  }
0x96: {  	s17 =	sld [smem:$0x11];
	(tm) =	ssettm $0x1  }
0x97: {  	s18 =	sld [smem:$0x3FFB];
	_ =	sdelay $0x3  }
0x98: {  	_ =	strace s18  }
0x99: {  	s4 =	sld [smem:$0x3FFC];
	_ =	sdelay $0x3  }
0x9a: {  	_ =	strace s4  }
0x9b: {  	s4 =	sld [smem:$0x3FFD];
	_ =	sdelay $0x3  }
0x9c: {  	_ =	strace s4  }
0x9d: {  	_ =	strace $0x8FFFFFFF  }
0x9e: {  	s19 =	sld [smem:$0x3FDB];
	_ =	sdelay $0x1  }
0x9f: {  	s20 =	simm.s32 $_scs_section_size  }
0xa0: {  	s6 =	simm.s32 $_size__tile_overlayer_lowered;
	s7 =	simm.s32 $_tile_overlayer_lowered  }
0xa1: {  	s23 =	simm.s32 $0x1BFF;
	s22 =	sshll.u32 s7, $0x1;
	s4 =	sadd.s32 s20, s19  }
0xa2: {  	s8 =	simm.s32 $0x0;
	s21 =	sshll.u32 s6, $0x1;
	s6 =	sadd.s32 s22, s4  }
0xa3: {  	[timem:s8], [sflag:s23] =	dma.local [hbm:s6], s21  }
0xa4: {  	_ =	swait.ge [sflag:s23], s21  }
0xa5: {  	s5 =	ssub.s32 $0x0, s21;
	[sflag:s23] =	ssyncset.done $0x0  }
0xa6: {  	[sflag:s23] =	ssyncadd.s32 s5;
	_ =	sdelay $0x1  }
0xa7: {  	s24 =	simm.s32 $0x1B8B  }
0xa8: {  	_ =	swait.ge [sflag:s24], $0x1  }
0xa9: {  	[sflag:s24] =	ssyncset.done $0x0  }
0xaa: {  	s25 =	simm.s32 $0x1B8E;
	[sflag:s24] =	ssyncadd.s32 $0xFFFFFFFF  }
0xab: {  	s26 =	simm.s32 $execute0_lowered;
	[smem:$0x3FD2] =	sst s25  }
0xac: {  	s5 =	sshll.u32 s26, $0x1;
	_ =	strace $0x80000046;
	[dreg:$0x1] =	wrdreg $0xFFFFFFFF  }
0xad: {  	s28 =	simm.s32 $_size_execute0_lowered;
	s4 =	sadd.s32 s4, s5;
	[dreg:$0x0] =	wrdreg $0x0  }
0xae: {  	s5 =	sshll.u32 s28, $0x1;
	[dreg:$0x2] =	wrdreg s4  }
0xaf: {  	[dreg:$0x3] =	wrdreg s5  }
0xb0: {  	[dreg:$0x4] =	wrdreg $0xC0  }
0xb1: {  	_ =	task [dreg:s8], $0x5FFFF  }
0xb2: {  	[dreg:$0x1] =	wrdreg $0xFFFFFFFF  }
0xb3: {  	[dreg:$0x0] =	wrdreg $0x60  }
0xb4: {  	[dreg:$0x2] =	wrdreg s16  }
0xb5: {  	[dreg:$0x3] =	wrdreg s17  }
0xb6: {  	[dreg:$0x4] =	wrdreg $0x9  }
0xb7: {  	_ =	task.clear_ibuf [dreg:s8], $0x5FFFF;
	_ =	strace $0x90000046  }
0xb8: {  	s29 =	simm.s32 $0x9;
	_ =	strace $0x80000048  }
0xb9: {  	_ =	swait.ge [sflag:s29], $0x1  }
0xba: {  	[sflag:s29] =	ssyncadd.s32 $0xFFFFFFFF  }
0xbb: {  	_ =	strace $0x90000048  }
0xbc: {  	_ =	sfence  }
0xbd: {  	s30 =	sld [smem:$0x0];
	_ =	sdelay $0x2  }
0xbe: {  	s31 =	sshll.u32 s1, $0xD;
	s1 =	sshrl.u32 s1, $0x2  }
0xbf: {  	s3 =	sand.u32 $0x4000, s31;
	s1 =	sadd.s32 s1, s30  }
0xc0: {  	s0 =	sor.u32 s3, s0;
	s1 =	sshll.u32 s1, $0x11  }
0xc1: {  	s0 =	sor.u32 s1, s0  }
0xc2: {  	s0 =	sadd.s32 $0x8F2B, s0  }
0xc3: {  	[sflag:s0] =	ssyncadd.remote.s32 $0x1  }
0xc4: {  	_ =	sfence.sel $0xFFFF  }
0xc5: {  	[dreg:$0x0] =	wrdreg $0xFFFFFFFF;
	(pc) =	sbr.abs _section_cstart, $3  }
0xc6: {  	[dreg:$0x1] =	wrdreg $0xFFFFFFFF  }
0xc7: {  	_ =	task.clear_ibuf [dreg:s8], $0x2FFFF;
	_ =	strace $0x9FFFFFFF  }
0xc8: {  	(tm) =	ssettm $0x7FFFFFFF  }
0xc9: {  	_ =	shalt  }
tec
execute0_lowered:
.L_overlay_start_1:
0x0: {  	(tag) =	ssettag $0x1  }
0x1: {  	s1 =	srdreg.scid  }
0x2: {  	s8 =	sand.u32 $0x1, s1;
	s1 =	stileid.u32  }
0x3: {  	s5 =	sshll.u32 s1, $0x1;
	s6 =	ssub.s32 $0x0, s8  }
0x4: {  	p0 =	sne.s32 s5, s6  }
.Ltmp0:
0x5: {  	_ = 	snop;
	(pc) =	sbr.rel @p0 .LBB2_4-.Ltmp0, $4  }
0x6: {  	s2 =	rddreg [dreg:$0x0]  }
0x7: {  	s3 =	rddreg [dreg:$0x1];
	s4 =	simm.s32 $0x0  }
0x8: {  	[smem:$0x7FF] =	sst s4  }
0x9: {  	s0 =	rddreg [dreg:$0x2];
	_ =	strace $0x80000047  }
0xa: {  	s5 =	simm.s32 $0x1  }
0xb: {  	[tilespmem:s4], [sflag:$0x1] =	stream.linear.gather [hbm4b:s2+s4], $0x80, $0x38;
	[tilespmem:$0x100] =	vst v63  }
0xc: {  	_ =	swait.ge [sflag:s5], $0x80  }
0xd: {  	[sflag:s5] =	ssyncset.done $0x0  }
0xe: {  	[sflag:s5] =	ssyncadd.s32 $0xFFFFFF80  }
0xf: {  	v1 =	vld [tilespmem:$0x0];
	_ =	sdelay $0x4  }
0x10: {  	v0 =	vimm.s32 $0x0;
	vm0 =	veq.s32 v1, $0x0  }
0x11: {  	v1 =	vsel vm0, $0x1, v0  }
0x12: {  	s6 =	simm.s32 $0x80;
	[tilespmem:$0x80] =	vst v1  }
0x13: {  	[hbm4b:s3+s4] =	stream.linear.scatter [tilespmem:s6], [sflag:$0x1], $0x10, $0x38;
	[tilespmem:$0x100] =	vst v63  }
0x14: {  	_ =	swait.ge [sflag:s5], $0x10  }
0x15: {  	[sflag:s5] =	ssyncset.done $0x0  }
0x16: {  	[sflag:s5] =	ssyncadd.s32 $0xFFFFFFF0  }
0x17: {  	v1 =	vld [tilespmem:$0x0];
	_ =	sdelay $0x4  }
0x18: {  	vm14 =	veq.s32 v1, $0x1  }
0x19: {  	v1 =	vsel vm14, $0x1, v0  }
0x1a: {  	s7 =	sadd.s32 $0x2, s3;
	[tilespmem:$0x80] =	vst v1  }
0x1b: {  	[hbm4b:s7+s4] =	stream.linear.scatter [tilespmem:s6], [sflag:$0x1], $0x10, $0x38;
	[tilespmem:$0x100] =	vst v63  }
0x1c: {  	_ =	swait.ge [sflag:s5], $0x10  }
0x1d: {  	[sflag:s5] =	ssyncset.done $0x0  }
0x1e: {  	[sflag:s5] =	ssyncadd.s32 $0xFFFFFFF0  }
0x1f: {  	v1 =	vld [tilespmem:$0x0]  }
0x20: {  	s8 =	ssub.s32 $0x2, s8  }
0x21: {  	s9 =	sshrl.u32 s8, $0x1  }
0x22: {  	s9 =	ssub.s32 s8, s9  }
0x23: {  	s9 =	smax.u32 s9, $0x1  }
0x24: {  	p0 =	sne.s32 s9, $0x1;
	vm15 =	veq.s32 v1, $0x2  }
.Ltmp1:
0x25: {  	v1 =	vsel vm15, $0x1, v0;
	(pc) =	sbr.rel @!p0 .LBB2_3-.Ltmp1, $4  }
0x26: {  	s8 =	sadd.s32 $0x4, s3;
	[tilespmem:$0x80] =	vst v1  }
0x27: {  	[hbm4b:s8+s4] =	stream.linear.scatter [tilespmem:s6], [sflag:$0x1], $0x10, $0x38;
	[tilespmem:$0x100] =	vst v63  }
0x28: {  	_ =	swait.ge [sflag:s5], $0x10  }
0x29: {  	s9 =	sadd.s32 $0xFFFFFFFF, s9;
	[sflag:s5] =	ssyncset.done $0x0  }
.LBB2_2:
0x2a: {  	p0 =	sne.s32 s9, $0x1;
	s9 =	sadd.s32 $0xFFFFFFFF, s9;
	[sflag:s5] =	ssyncadd.s32 $0xFFFFFFF0  }
0x2b: {  	[tilespmem:s4], [sflag:$0x1] =	stream.linear.gather [hbm4b:s2+s4], $0x80, $0x38;
	[tilespmem:$0x100] =	vst v63  }
0x2c: {  	_ =	swait.ge [sflag:s5], $0x80  }
0x2d: {  	[sflag:s5] =	ssyncset.done $0x0  }
0x2e: {  	[sflag:s5] =	ssyncadd.s32 $0xFFFFFF80  }
0x2f: {  	v1 =	vld [tilespmem:$0x0];
	_ =	sdelay $0x4  }
0x30: {  	vm0 =	veq.s32 v1, $0x0  }
0x31: {  	v1 =	vsel vm0, $0x1, v0  }
0x32: {  	[tilespmem:$0x80] =	vst v1  }
0x33: {  	[hbm4b:s3+s4] =	stream.linear.scatter [tilespmem:s6], [sflag:$0x1], $0x10, $0x38;
	[tilespmem:$0x100] =	vst v63  }
0x34: {  	_ =	swait.ge [sflag:s5], $0x10  }
0x35: {  	[sflag:s5] =	ssyncset.done $0x0  }
0x36: {  	[sflag:s5] =	ssyncadd.s32 $0xFFFFFFF0  }
0x37: {  	v1 =	vld [tilespmem:$0x0];
	_ =	sdelay $0x4  }
0x38: {  	vm0 =	veq.s32 v1, $0x1  }
0x39: {  	v1 =	vsel vm0, $0x1, v0  }
0x3a: {  	[tilespmem:$0x80] =	vst v1  }
0x3b: {  	[hbm4b:s7+s4] =	stream.linear.scatter [tilespmem:s6], [sflag:$0x1], $0x10, $0x38;
	[tilespmem:$0x100] =	vst v63  }
0x3c: {  	_ =	swait.ge [sflag:s5], $0x10  }
0x3d: {  	[sflag:s5] =	ssyncset.done $0x0  }
0x3e: {  	[sflag:s5] =	ssyncadd.s32 $0xFFFFFFF0  }
0x3f: {  	v1 =	vld [tilespmem:$0x0];
	_ =	sdelay $0x4  }
0x40: {  	vm0 =	veq.s32 v1, $0x2  }
.Ltmp2:
0x41: {  	v1 =	vsel vm0, $0x1, v0;
	(pc) =	sbr.rel @p0 .LBB2_2-.Ltmp2, $4  }
0x42: {  	[tilespmem:$0x80] =	vst v1  }
0x43: {  	[hbm4b:s8+s4] =	stream.linear.scatter [tilespmem:s6], [sflag:$0x1], $0x10, $0x38;
	[tilespmem:$0x100] =	vst v63  }
0x44: {  	_ =	swait.ge [sflag:s5], $0x10  }
0x45: {  	[sflag:s5] =	ssyncset.done $0x0  }
.LBB2_3:
0x46: {  	[sflag:s5] =	ssyncadd.s32 $0xFFFFFFF0  }
.LBB2_4:
0x47: {  	_ =	sfence.sel $0x180000  }
0x48: {  	[bflag:$0x0] =	sbarrier.arrive $0xFFFF  }
0x49: {  	p0 =	sne.s32 s1, $0x0;
	_ =	strace $0x90000047  }
0x4a: {  	s0 =	sadd.s32 @!p0 $0x100000, s0;
	[bflag:$0x2] =	sbarrier.arrive $0xFFFF  }
0x4b: {  	[sflag:s0] =	ssyncadd.tile.s32 @!p0 $0x1;
	_ =	shalt  }
.Lfunc_end2:
_tile_overlayer_lowered:
.L_overlay_start_2:
0x4c: {  	(tag) =	ssettag $0x2  }
0x4d: {  	s0 =	rddreg [dreg:$0x0];
	s2 =	stileid.u32  }
0x4e: {  	s1 =	rddreg [dreg:$0x1];
	p0 =	sne.s32 s2, $0x0  }
0x4f: {  	s3 =	rddreg [dreg:$0x2];
	[bflag:$0x3] =	sbarrier.arrive $0xFFFF;
	s2 =	simm.s32 @!p0 $0x1C01  }
0x50: {  	[timem:s3], [sflag:s2] =	dma.local @!p0 [hbm:s0], s1  }
0x51: {  	s0 =	simm.s32 @!p0 $0x1  }
0x52: {  	_ =	swait.ge @!p0 [sflag:s0], s1  }
0x53: {  	s1 =	ssub.s32 @!p0 $0x0, s1;
	[sflag:s0] =	ssyncset.done @!p0 $0x0  }
0x54: {  	[sflag:s0] =	ssyncadd.s32 @!p0 s1  }
0x55: {  	[bflag:$0x3] =	sbarrier.arrive $0xFFFF  }
0x56: {  	_ =	shalt  }

</sc_bundles>
